<compile_context>
chip_gen: v7x
topology: tpu7x:2x2x1
jax: 0.10.2.dev20260603
libtpu: 0.0.44.dev20260713+nightly
codegen_flags: <defaults>
</compile_context>

<pallas_src>
import functools

import jax
import jax.numpy as jnp
from jax import lax
from jax.experimental import pallas as pl
from jax.experimental.pallas import tpu as pltpu, tpu_sc as plsc

N_CORES = 2
N_SUBCORES = 16
NW = N_CORES * N_SUBCORES
CHUNK = 80


def _sc_mesh():
    return plsc.VectorSubcoreMesh(
        core_axis_name="c", subcore_axis_name="s",
        num_cores=N_CORES, num_subcores=N_SUBCORES)


_SC_PARAMS = pltpu.CompilerParams(use_tc_tiling_on_sc=False)


def _pad_rows(n):
    per = -(-n // N_SUBCORES)
    per = -(-per // 8) * 8
    return per * N_SUBCORES


def _make_degree_kernel(n_nodes, n_edges):
    ew = n_edges // NW
    nchunks = ew // CHUNK
    npad = _pad_rows(n_nodes)
    nt = npad // N_SUBCORES
    width = 16

    @functools.partial(
        pl.kernel,
        out_type=jax.ShapeDtypeStruct((N_CORES * npad, width), jnp.float32),
        mesh=_sc_mesh(),
        compiler_params=_SC_PARAMS,
        scratch_types=[
            pltpu.VMEM((CHUNK,), jnp.int32),
            pltpu.VMEM((CHUNK, width), jnp.float32),
            pltpu.VMEM_SHARED((npad, width), jnp.float32),
        ],
    )
    def deg_kernel(dst_hbm, ones_hbm, zeros_hbm, out_hbm, idx_v, ones_v, acc_sh):
        c = lax.axis_index("c")
        s = lax.axis_index("s")
        pltpu.sync_copy(zeros_hbm, acc_sh.at[pl.ds(s * nt, nt)])
        pltpu.sync_copy(ones_hbm, ones_v)
        plsc.subcore_barrier()
        base = c * (n_edges // N_CORES) + s * ew

        def chunk(j, carry):
            pltpu.sync_copy(dst_hbm.at[pl.ds(base + j * CHUNK, CHUNK)], idx_v)
            pltpu.sync_copy(ones_v, acc_sh.at[idx_v], add=True)
            return carry

        lax.fori_loop(0, nchunks, chunk, 0)
        plsc.subcore_barrier()
        pltpu.sync_copy(acc_sh.at[pl.ds(s * nt, nt)],
                        out_hbm.at[pl.ds(c * npad + s * nt, nt)])

    return deg_kernel


def _make_scatter_kernel(n_nodes, n_edges, d):
    ew = n_edges // NW
    nchunks = ew // CHUNK
    npad = _pad_rows(n_nodes)
    nt = npad // N_SUBCORES

    @functools.partial(
        pl.kernel,
        out_type=jax.ShapeDtypeStruct((N_CORES * npad, d), jnp.float32),
        mesh=_sc_mesh(),
        compiler_params=_SC_PARAMS,
        scratch_types=[
            pltpu.VMEM((CHUNK,), jnp.int32),
            pltpu.VMEM((CHUNK,), jnp.int32),
            pltpu.VMEM((CHUNK, d), jnp.float32),
            pltpu.VMEM_SHARED((npad, d), jnp.float32),
            pltpu.SemaphoreType.DMA,
        ],
    )
    def scatter_kernel(g_hbm, src_hbm, dst_hbm, zeros_hbm, out_hbm,
                       idxs_v, idxd_v, rows_v, acc_sh, sem):
        c = lax.axis_index("c")
        s = lax.axis_index("s")
        pltpu.sync_copy(zeros_hbm, acc_sh.at[pl.ds(s * nt, nt)])
        plsc.subcore_barrier()
        base = c * (n_edges // N_CORES) + s * ew

        def chunk(j, carry):
            e0 = base + j * CHUNK
            pltpu.sync_copy(src_hbm.at[pl.ds(e0, CHUNK)], idxs_v)
            pltpu.sync_copy(dst_hbm.at[pl.ds(e0, CHUNK)], idxd_v)
            pltpu.async_copy(g_hbm.at[idxs_v], rows_v, sem).wait()
            pltpu.sync_copy(rows_v, acc_sh.at[idxd_v], add=True)
            return carry

        lax.fori_loop(0, nchunks, chunk, 0)
        plsc.subcore_barrier()
        pltpu.sync_copy(acc_sh.at[pl.ds(s * nt, nt)],
                        out_hbm.at[pl.ds(c * npad + s * nt, nt)])

    return scatter_kernel


def _tc_matmul(x, w):
    n, k = x.shape
    m = w.shape[1]
    blk = 2000

    def body(x_ref, w_ref, o_ref):
        o_ref[...] = jnp.dot(x_ref[...], w_ref[...],
                             preferred_element_type=jnp.float32)

    return pl.pallas_call(
        body,
        grid=(n // blk,),
        in_specs=[pl.BlockSpec((blk, k), lambda i: (i, 0)),
                  pl.BlockSpec((k, m), lambda i: (0, 0))],
        out_specs=pl.BlockSpec((blk, m), lambda i: (i, 0)),
        out_shape=jax.ShapeDtypeStruct((n, m), jnp.float32),
    )(x, w)


def _tc_prescale(deg_parts, h1):
    n, d = h1.shape
    blk = 2000
    w = deg_parts.shape[2]

    def body(da_ref, db_ref, h_ref, g_ref, dinv_ref):
        deg = da_ref[0][:, :1] + db_ref[0][:, :1] + 1.0
        dinv = lax.rsqrt(deg)
        dinv_ref[...] = dinv
        g_ref[...] = h_ref[...] * dinv

    return pl.pallas_call(
        body,
        grid=(n // blk,),
        in_specs=[pl.BlockSpec((1, blk, w), lambda i: (0, i, 0)),
                  pl.BlockSpec((1, blk, w), lambda i: (1, i, 0)),
                  pl.BlockSpec((blk, d), lambda i: (i, 0))],
        out_specs=[pl.BlockSpec((blk, d), lambda i: (i, 0)),
                   pl.BlockSpec((blk, 1), lambda i: (i, 0))],
        out_shape=[jax.ShapeDtypeStruct((n, d), jnp.float32),
                   jax.ShapeDtypeStruct((n, 1), jnp.float32)],
    )(deg_parts, deg_parts, h1)


def _tc_mid(s1, g1, dinv, b1, w2):
    n, d = g1.shape
    m = w2.shape[1]
    blk = 2000

    def body(sa_ref, sb_ref, g_ref, dinv_ref, b_ref, w_ref, o_ref):
        dinv = dinv_ref[...]
        h = (sa_ref[0] + sb_ref[0] + g_ref[...]) * dinv + b_ref[...]
        h = jnp.maximum(h, 0.0)
        o_ref[...] = jnp.dot(h, w_ref[...],
                             preferred_element_type=jnp.float32) * dinv

    return pl.pallas_call(
        body,
        grid=(n // blk,),
        in_specs=[pl.BlockSpec((1, blk, d), lambda i: (0, i, 0)),
                  pl.BlockSpec((1, blk, d), lambda i: (1, i, 0)),
                  pl.BlockSpec((blk, d), lambda i: (i, 0)),
                  pl.BlockSpec((blk, 1), lambda i: (i, 0)),
                  pl.BlockSpec((1, d), lambda i: (0, 0)),
                  pl.BlockSpec((d, m), lambda i: (0, 0))],
        out_specs=pl.BlockSpec((blk, m), lambda i: (i, 0)),
        out_shape=jax.ShapeDtypeStruct((n, m), jnp.float32),
    )(s1, s1, g1, dinv, b1, w2)


def _tc_final(s2, g2, dinv, b2):
    n, m = g2.shape
    blk = 2000

    def body(sa_ref, sb_ref, g_ref, dinv_ref, b_ref, o_ref):
        o_ref[...] = ((sa_ref[0] + sb_ref[0] + g_ref[...]) * dinv_ref[...]
                      + b_ref[...])

    return pl.pallas_call(
        body,
        grid=(n // blk,),
        in_specs=[pl.BlockSpec((1, blk, m), lambda i: (0, i, 0)),
                  pl.BlockSpec((1, blk, m), lambda i: (1, i, 0)),
                  pl.BlockSpec((blk, m), lambda i: (i, 0)),
                  pl.BlockSpec((blk, 1), lambda i: (i, 0)),
                  pl.BlockSpec((1, m), lambda i: (0, 0))],
        out_specs=pl.BlockSpec((blk, m), lambda i: (i, 0)),
        out_shape=jax.ShapeDtypeStruct((n, m), jnp.float32),
    )(s2, s2, g2, dinv, b2)


def kernel(x, edge_index, W1, b1, W2, b2):
    n, d_in = x.shape
    hidden = W1.shape[1]
    latent = W2.shape[1]
    e = edge_index.shape[1]
    npad = _pad_rows(n)
    nt = npad // N_SUBCORES
    src = edge_index[0]
    dst = edge_index[1]

    ones_rows = jnp.ones((CHUNK, 16), jnp.float32)
    zeros16 = jnp.zeros((nt, 16), jnp.float32)
    zeros_h = jnp.zeros((nt, hidden), jnp.float32)
    zeros_l = jnp.zeros((nt, latent), jnp.float32)

    deg_parts = _make_degree_kernel(n, e)(dst, ones_rows, zeros16)
    deg_parts = deg_parts.reshape(N_CORES, npad, 16)
    h1 = _tc_matmul(x, W1)
    g1, dinv = _tc_prescale(deg_parts, h1)

    s1 = _make_scatter_kernel(n, e, hidden)(g1, src, dst, zeros_h)
    s1 = s1.reshape(N_CORES, npad, hidden)
    g2 = _tc_mid(s1, g1, dinv, b1.reshape(1, hidden), W2)

    s2 = _make_scatter_kernel(n, e, latent)(g2, src, dst, zeros_l)
    s2 = s2.reshape(N_CORES, npad, latent)
    z = _tc_final(s2, g2, dinv, b2.reshape(1, latent))
    return z

# --- scband reference (transcript-rebuilt; emitter-appended) ---
"""Pipeline reference for scband-gedcore-89842125897990 (READ-ONLY COPY).

The authoritative reference and input builder live on the scoring server;
editing this copy changes nothing except your own understanding.
"""

import jax, jax.numpy as jnp
import numpy as np

N_NODES = 10000
N_EDGES = 320000
D_FEAT = 128
HIDDEN = 128
LATENT = 32


def setup_inputs(seed: int = 0) -> dict:
    key = jax.random.key(seed)
    ks = jax.random.split(key, 6)
    x = jax.random.normal(ks[0], (N_NODES, D_FEAT), dtype=jnp.float32)
    edge_index = jax.random.randint(ks[1], (2, N_EDGES), 0, N_NODES, dtype=jnp.int32)
    W1 = jax.random.normal(ks[2], (D_FEAT, HIDDEN), dtype=jnp.float32) * (1.0 / np.sqrt(D_FEAT))
    b1 = jnp.zeros((HIDDEN,), dtype=jnp.float32)
    W2 = jax.random.normal(ks[3], (HIDDEN, LATENT), dtype=jnp.float32) * (1.0 / np.sqrt(HIDDEN))
    b2 = jnp.zeros((LATENT,), dtype=jnp.float32)
    return {"x": x, "edge_index": edge_index, "W1": W1, "b1": b1, "W2": W2, "b2": b2}


def gcn_conv(x, edge_index, W, b):
    # Faithful GCNConv: add self-loops, symmetric degree normalization,
    # linear transform, gather messages along src, scatter-add into dst.
    n = x.shape[0]
    loop = jnp.arange(n, dtype=edge_index.dtype)
    src = jnp.concatenate([edge_index[0], loop])
    dst = jnp.concatenate([edge_index[1], loop])
    deg = jnp.zeros((n,), dtype=x.dtype).at[dst].add(1.0)
    dinv = jnp.where(deg > 0, jax.lax.rsqrt(deg), 0.0)
    norm = dinv[src] * dinv[dst]
    h = x @ W
    msg = h[src] * norm[:, None]
    out = jnp.zeros((n, W.shape[1]), dtype=x.dtype).at[dst].add(msg)
    return out + b


def reference(x, edge_index, W1, b1, W2, b2):
    # GEDCore.forward with batch=None -> GraphEncoder node embeddings.
    # Dropout is identity in eval mode.
    h = jax.nn.relu(gcn_conv(x, edge_index, W1, b1))
    z = gcn_conv(h, edge_index, W2, b2)
    return z

if __name__ == "__main__":
    import jax
    _d = setup_inputs()
    print(jax.jit(kernel)(*tuple(_d.values())))

</pallas_src>

<mosaic_0001>
#map = affine_map<(d0, d1) -> (0, 0)>
#map1 = affine_map<(d0, d1) -> (0)>
module attributes {stable_mosaic.version = 14 : i64} {
  func.func @scatter_kernel(%arg0: i32, %arg1: i32, %arg2: memref<10000x32xf32, #tpu.memory_space<hbm>>, %arg3: memref<320000xi32, #tpu.memory_space<hbm>>, %arg4: memref<320000xi32, #tpu.memory_space<hbm>>, %arg5: memref<632x32xf32, #tpu.memory_space<hbm>>, %arg6: memref<20224x32xf32, #tpu.memory_space<hbm>>, %arg7: memref<80xi32, #tpu.memory_space<vmem>>, %arg8: memref<80xi32, #tpu.memory_space<vmem>>, %arg9: memref<80x32xf32, #tpu.memory_space<vmem>>, %arg10: memref<10112x32xf32, #tpu.memory_space<vmem_shared>>, %arg11: memref<!tpu.dma_semaphore, #tpu.memory_space<semaphore_mem>>) attributes {dimension_semantics = [#tpu.dimension_semantics<core_parallel>, #tpu.dimension_semantics<subcore_parallel>], iteration_bounds = array<i64: 2, 16>, scalar_prefetch = 0 : i64, scratch_operands = 5 : i64, tpu.core_type = #tpu.core_type<sc_vector_subcore>, window_params = [{transform_indices = #map}, {transform_indices = #map1}, {transform_indices = #map1}, {transform_indices = #map}, {transform_indices = #map}]} {
    %mul3A = arith.constant 632 : i32
    %mul3A_0 = arith.muli %arg1, %mul3A : i32
    "tpu.region"() ({
      %run_scoped3A = tpu.sem_alloc : memref<!tpu.dma_semaphore, #tpu.memory_space<semaphore_mem>>
      %dma_start3A = arith.constant 0 : i32
      %dma_start3A_18 = tpu.memref_slice %arg10[%mul3A_0, %dma_start3A] : memref<10112x32xf32, #tpu.memory_space<vmem_shared>> -> memref<632x32xf32, #tpu.memory_space<vmem_shared>>
      tpu.enqueue_dma source(%arg5 : memref<632x32xf32, #tpu.memory_space<hbm>>) target(%dma_start3A_18 : memref<632x32xf32, #tpu.memory_space<vmem_shared>>) target_semaphore(%run_scoped3A : memref<!tpu.dma_semaphore, #tpu.memory_space<semaphore_mem>>)
      %dma_wait3A = arith.constant 0 : i32
      %dma_wait3A_19 = tpu.memref_slice %arg10[%mul3A_0, %dma_wait3A] : memref<10112x32xf32, #tpu.memory_space<vmem_shared>> -> memref<632x32xf32, #tpu.memory_space<vmem_shared>>
      tpu.wait_dma2 semaphore(%run_scoped3A : memref<!tpu.dma_semaphore, #tpu.memory_space<semaphore_mem>>) src(%arg5 : memref<632x32xf32, #tpu.memory_space<hbm>>) dst(%dma_wait3A_19 : memref<632x32xf32, #tpu.memory_space<vmem_shared>>)
      tpu.yield
    }) : () -> ()
    %barrier3A = arith.constant 0 : index
    tpu.barrier barrier_id(%barrier3A)
    %mul3A_1 = arith.constant 160000 : i32
    %mul3A_2 = arith.muli %arg0, %mul3A_1 : i32
    %mul3A_3 = arith.constant 10000 : i32
    %mul3A_4 = arith.muli %arg1, %mul3A_3 : i32
    %add3A = arith.addi %mul3A_2, %mul3A_4 : i32
    %scan3A = arith.constant 0 : i32
    %scan3A_5 = arith.constant 0 : i32
    %scan3A_6 = arith.constant 125 : i32
    %scan3A_7 = arith.addi %scan3A_5, %scan3A_6 : i32
    %scan3A_8 = arith.constant 1 : i32
    scf.for %scan3A_18 = %scan3A_5 to %scan3A_7 step %scan3A_8  : i32 {
      %mul3A_19 = arith.constant 80 : i32
      %mul3A_20 = arith.muli %scan3A_18, %mul3A_19 : i32
      %add3A_21 = arith.addi %add3A, %mul3A_20 : i32
      "tpu.region"() ({
        %run_scoped3A = tpu.sem_alloc : memref<!tpu.dma_semaphore, #tpu.memory_space<semaphore_mem>>
        %dma_start3A_26 = tpu.memref_slice %arg3[%add3A_21] : memref<320000xi32, #tpu.memory_space<hbm>> -> memref<80xi32, #tpu.memory_space<hbm>>
        %dma_start3A_27 = tpu.memref_slice %arg3[%add3A_21] : memref<320000xi32, #tpu.memory_space<hbm>> -> memref<80xi32, #tpu.memory_space<hbm>>
        tpu.enqueue_dma source(%dma_start3A_27 : memref<80xi32, #tpu.memory_space<hbm>>) target(%arg7 : memref<80xi32, #tpu.memory_space<vmem>>) target_semaphore(%run_scoped3A : memref<!tpu.dma_semaphore, #tpu.memory_space<semaphore_mem>>)
        %dma_wait3A_28 = tpu.memref_slice %arg3[%add3A_21] : memref<320000xi32, #tpu.memory_space<hbm>> -> memref<80xi32, #tpu.memory_space<hbm>>
        %dma_wait3A_29 = tpu.memref_slice %arg3[%add3A_21] : memref<320000xi32, #tpu.memory_space<hbm>> -> memref<80xi32, #tpu.memory_space<hbm>>
        tpu.wait_dma2 semaphore(%run_scoped3A : memref<!tpu.dma_semaphore, #tpu.memory_space<semaphore_mem>>) src(%dma_wait3A_29 : memref<80xi32, #tpu.memory_space<hbm>>) dst(%arg7 : memref<80xi32, #tpu.memory_space<vmem>>)
        tpu.yield
      }) : () -> ()
      "tpu.region"() ({
        %run_scoped3A = tpu.sem_alloc : memref<!tpu.dma_semaphore, #tpu.memory_space<semaphore_mem>>
        %dma_start3A_26 = tpu.memref_slice %arg4[%add3A_21] : memref<320000xi32, #tpu.memory_space<hbm>> -> memref<80xi32, #tpu.memory_space<hbm>>
        %dma_start3A_27 = tpu.memref_slice %arg4[%add3A_21] : memref<320000xi32, #tpu.memory_space<hbm>> -> memref<80xi32, #tpu.memory_space<hbm>>
        tpu.enqueue_dma source(%dma_start3A_27 : memref<80xi32, #tpu.memory_space<hbm>>) target(%arg8 : memref<80xi32, #tpu.memory_space<vmem>>) target_semaphore(%run_scoped3A : memref<!tpu.dma_semaphore, #tpu.memory_space<semaphore_mem>>)
        %dma_wait3A_28 = tpu.memref_slice %arg4[%add3A_21] : memref<320000xi32, #tpu.memory_space<hbm>> -> memref<80xi32, #tpu.memory_space<hbm>>
        %dma_wait3A_29 = tpu.memref_slice %arg4[%add3A_21] : memref<320000xi32, #tpu.memory_space<hbm>> -> memref<80xi32, #tpu.memory_space<hbm>>
        tpu.wait_dma2 semaphore(%run_scoped3A : memref<!tpu.dma_semaphore, #tpu.memory_space<semaphore_mem>>) src(%dma_wait3A_29 : memref<80xi32, #tpu.memory_space<hbm>>) dst(%arg8 : memref<80xi32, #tpu.memory_space<vmem>>)
        tpu.yield
      }) : () -> ()
      %dma_start3A = arith.constant 0 : i32
      %dma_start3A_22 = arith.constant 0 : i32
      %dma_start3A_23 = tpu.memref_slice %arg2[%dma_start3A, %dma_start3A_22] : memref<10000x32xf32, #tpu.memory_space<hbm>> -> memref<10000x32xf32, #tpu.memory_space<hbm>>
      tpu.enqueue_indirect_dma source(%dma_start3A_23 : memref<10000x32xf32, #tpu.memory_space<hbm>>) target(%arg9 : memref<80x32xf32, #tpu.memory_space<vmem>>) offsets(%arg7 : memref<80xi32, #tpu.memory_space<vmem>>) semaphore(%arg11 : memref<!tpu.dma_semaphore, #tpu.memory_space<semaphore_mem>>)
      %dma_wait3A = arith.constant 0 : i32
      %dma_wait3A_24 = arith.constant 0 : i32
      %dma_wait3A_25 = tpu.memref_slice %arg2[%dma_wait3A, %dma_wait3A_24] : memref<10000x32xf32, #tpu.memory_space<hbm>> -> memref<10000x32xf32, #tpu.memory_space<hbm>>
      tpu.wait_indirect_dma semaphore(%arg11 : memref<!tpu.dma_semaphore, #tpu.memory_space<semaphore_mem>>) src(%dma_wait3A_25 : memref<10000x32xf32, #tpu.memory_space<hbm>>) dst(%arg9 : memref<80x32xf32, #tpu.memory_space<vmem>>)
      "tpu.region"() ({
        %run_scoped3A = tpu.sem_alloc : memref<!tpu.dma_semaphore, #tpu.memory_space<semaphore_mem>>
        %dma_start3A_26 = arith.constant 0 : i32
        %dma_start3A_27 = arith.constant 0 : i32
        %dma_start3A_28 = tpu.memref_slice %arg10[%dma_start3A_26, %dma_start3A_27] : memref<10112x32xf32, #tpu.memory_space<vmem_shared>> -> memref<10112x32xf32, #tpu.memory_space<vmem_shared>>
        tpu.enqueue_indirect_dma source(%arg9 : memref<80x32xf32, #tpu.memory_space<vmem>>) target(%dma_start3A_28 : memref<10112x32xf32, #tpu.memory_space<vmem_shared>>) offsets(%arg8 : memref<80xi32, #tpu.memory_space<vmem>>) semaphore(%run_scoped3A : memref<!tpu.dma_semaphore, #tpu.memory_space<semaphore_mem>>) {add = true}
        %dma_wait3A_29 = arith.constant 0 : i32
        %dma_wait3A_30 = arith.constant 0 : i32
        %dma_wait3A_31 = tpu.memref_slice %arg10[%dma_wait3A_29, %dma_wait3A_30] : memref<10112x32xf32, #tpu.memory_space<vmem_shared>> -> memref<10112x32xf32, #tpu.memory_space<vmem_shared>>
        tpu.wait_indirect_dma semaphore(%run_scoped3A : memref<!tpu.dma_semaphore, #tpu.memory_space<semaphore_mem>>) src(%arg9 : memref<80x32xf32, #tpu.memory_space<vmem>>) dst(%dma_wait3A_31 : memref<10112x32xf32, #tpu.memory_space<vmem_shared>>)
        tpu.yield
      }) : () -> ()
    }
    %scan3A_9 = arith.constant 125 : i32
    %barrier3A_10 = arith.constant 0 : index
    tpu.barrier barrier_id(%barrier3A_10)
    %mul3A_11 = arith.constant 632 : i32
    %mul3A_12 = arith.muli %arg1, %mul3A_11 : i32
    %mul3A_13 = arith.constant 10112 : i32
    %mul3A_14 = arith.muli %arg0, %mul3A_13 : i32
    %mul3A_15 = arith.constant 632 : i32
    %mul3A_16 = arith.muli %arg1, %mul3A_15 : i32
    %add3A_17 = arith.addi %mul3A_14, %mul3A_16 : i32
    "tpu.region"() ({
      %run_scoped3A = tpu.sem_alloc : memref<!tpu.dma_semaphore, #tpu.memory_space<semaphore_mem>>
      %dma_start3A = arith.constant 0 : i32
      %dma_start3A_18 = tpu.memref_slice %arg6[%add3A_17, %dma_start3A] : memref<20224x32xf32, #tpu.memory_space<hbm>> -> memref<632x32xf32, #tpu.memory_space<hbm>>
      %dma_start3A_19 = arith.constant 0 : i32
      %dma_start3A_20 = tpu.memref_slice %arg10[%mul3A_12, %dma_start3A_19] : memref<10112x32xf32, #tpu.memory_space<vmem_shared>> -> memref<632x32xf32, #tpu.memory_space<vmem_shared>>
      tpu.enqueue_dma source(%dma_start3A_20 : memref<632x32xf32, #tpu.memory_space<vmem_shared>>) target(%dma_start3A_18 : memref<632x32xf32, #tpu.memory_space<hbm>>) target_semaphore(%run_scoped3A : memref<!tpu.dma_semaphore, #tpu.memory_space<semaphore_mem>>)
      %dma_wait3A = arith.constant 0 : i32
      %dma_wait3A_21 = tpu.memref_slice %arg6[%add3A_17, %dma_wait3A] : memref<20224x32xf32, #tpu.memory_space<hbm>> -> memref<632x32xf32, #tpu.memory_space<hbm>>
      %dma_wait3A_22 = arith.constant 0 : i32
      %dma_wait3A_23 = tpu.memref_slice %arg10[%mul3A_12, %dma_wait3A_22] : memref<10112x32xf32, #tpu.memory_space<vmem_shared>> -> memref<632x32xf32, #tpu.memory_space<vmem_shared>>
      tpu.wait_dma2 semaphore(%run_scoped3A : memref<!tpu.dma_semaphore, #tpu.memory_space<semaphore_mem>>) src(%dma_wait3A_23 : memref<632x32xf32, #tpu.memory_space<vmem_shared>>) dst(%dma_wait3A_21 : memref<632x32xf32, #tpu.memory_space<hbm>>)
      tpu.yield
    }) : () -> ()
    return
  }
}

#map = affine_map<(d0, d1) -> (0)>
#map1 = affine_map<(d0, d1) -> (0, 0)>
module attributes {stable_mosaic.version = 14 : i64} {
  func.func @deg_kernel(%arg0: i32, %arg1: i32, %arg2: memref<320000xi32, #tpu.memory_space<hbm>>, %arg3: memref<80x16xf32, #tpu.memory_space<hbm>>, %arg4: memref<632x16xf32, #tpu.memory_space<hbm>>, %arg5: memref<20224x16xf32, #tpu.memory_space<hbm>>, %arg6: memref<80xi32, #tpu.memory_space<vmem>>, %arg7: memref<80x16xf32, #tpu.memory_space<vmem>>, %arg8: memref<10112x16xf32, #tpu.memory_space<vmem_shared>>) attributes {dimension_semantics = [#tpu.dimension_semantics<core_parallel>, #tpu.dimension_semantics<subcore_parallel>], iteration_bounds = array<i64: 2, 16>, scalar_prefetch = 0 : i64, scratch_operands = 3 : i64, tpu.core_type = #tpu.core_type<sc_vector_subcore>, window_params = [{transform_indices = #map}, {transform_indices = #map1}, {transform_indices = #map1}, {transform_indices = #map1}]} {
    %mul3A = arith.constant 632 : i32
    %mul3A_0 = arith.muli %arg1, %mul3A : i32
    "tpu.region"() ({
      %run_scoped3A = tpu.sem_alloc : memref<!tpu.dma_semaphore, #tpu.memory_space<semaphore_mem>>
      %dma_start3A = arith.constant 0 : i32
      %dma_start3A_18 = tpu.memref_slice %arg8[%mul3A_0, %dma_start3A] : memref<10112x16xf32, #tpu.memory_space<vmem_shared>> -> memref<632x16xf32, #tpu.memory_space<vmem_shared>>
      tpu.enqueue_dma source(%arg4 : memref<632x16xf32, #tpu.memory_space<hbm>>) target(%dma_start3A_18 : memref<632x16xf32, #tpu.memory_space<vmem_shared>>) target_semaphore(%run_scoped3A : memref<!tpu.dma_semaphore, #tpu.memory_space<semaphore_mem>>)
      %dma_wait3A = arith.constant 0 : i32
      %dma_wait3A_19 = tpu.memref_slice %arg8[%mul3A_0, %dma_wait3A] : memref<10112x16xf32, #tpu.memory_space<vmem_shared>> -> memref<632x16xf32, #tpu.memory_space<vmem_shared>>
      tpu.wait_dma2 semaphore(%run_scoped3A : memref<!tpu.dma_semaphore, #tpu.memory_space<semaphore_mem>>) src(%arg4 : memref<632x16xf32, #tpu.memory_space<hbm>>) dst(%dma_wait3A_19 : memref<632x16xf32, #tpu.memory_space<vmem_shared>>)
      tpu.yield
    }) : () -> ()
    "tpu.region"() ({
      %run_scoped3A = tpu.sem_alloc : memref<!tpu.dma_semaphore, #tpu.memory_space<semaphore_mem>>
      tpu.enqueue_dma source(%arg3 : memref<80x16xf32, #tpu.memory_space<hbm>>) target(%arg7 : memref<80x16xf32, #tpu.memory_space<vmem>>) target_semaphore(%run_scoped3A : memref<!tpu.dma_semaphore, #tpu.memory_space<semaphore_mem>>)
      tpu.wait_dma2 semaphore(%run_scoped3A : memref<!tpu.dma_semaphore, #tpu.memory_space<semaphore_mem>>) src(%arg3 : memref<80x16xf32, #tpu.memory_space<hbm>>) dst(%arg7 : memref<80x16xf32, #tpu.memory_space<vmem>>)
      tpu.yield
    }) : () -> ()
    %barrier3A = arith.constant 0 : index
    tpu.barrier barrier_id(%barrier3A)
    %mul3A_1 = arith.constant 160000 : i32
    %mul3A_2 = arith.muli %arg0, %mul3A_1 : i32
    %mul3A_3 = arith.constant 10000 : i32
    %mul3A_4 = arith.muli %arg1, %mul3A_3 : i32
    %add3A = arith.addi %mul3A_2, %mul3A_4 : i32
    %scan3A = arith.constant 0 : i32
    %scan3A_5 = arith.constant 0 : i32
    %scan3A_6 = arith.constant 125 : i32
    %scan3A_7 = arith.addi %scan3A_5, %scan3A_6 : i32
    %scan3A_8 = arith.constant 1 : i32
    scf.for %scan3A_18 = %scan3A_5 to %scan3A_7 step %scan3A_8  : i32 {
      %mul3A_19 = arith.constant 80 : i32
      %mul3A_20 = arith.muli %scan3A_18, %mul3A_19 : i32
      %add3A_21 = arith.addi %add3A, %mul3A_20 : i32
      "tpu.region"() ({
        %run_scoped3A = tpu.sem_alloc : memref<!tpu.dma_semaphore, #tpu.memory_space<semaphore_mem>>
        %dma_start3A = tpu.memref_slice %arg2[%add3A_21] : memref<320000xi32, #tpu.memory_space<hbm>> -> memref<80xi32, #tpu.memory_space<hbm>>
        %dma_start3A_22 = tpu.memref_slice %arg2[%add3A_21] : memref<320000xi32, #tpu.memory_space<hbm>> -> memref<80xi32, #tpu.memory_space<hbm>>
        tpu.enqueue_dma source(%dma_start3A_22 : memref<80xi32, #tpu.memory_space<hbm>>) target(%arg6 : memref<80xi32, #tpu.memory_space<vmem>>) target_semaphore(%run_scoped3A : memref<!tpu.dma_semaphore, #tpu.memory_space<semaphore_mem>>)
        %dma_wait3A = tpu.memref_slice %arg2[%add3A_21] : memref<320000xi32, #tpu.memory_space<hbm>> -> memref<80xi32, #tpu.memory_space<hbm>>
        %dma_wait3A_23 = tpu.memref_slice %arg2[%add3A_21] : memref<320000xi32, #tpu.memory_space<hbm>> -> memref<80xi32, #tpu.memory_space<hbm>>
        tpu.wait_dma2 semaphore(%run_scoped3A : memref<!tpu.dma_semaphore, #tpu.memory_space<semaphore_mem>>) src(%dma_wait3A_23 : memref<80xi32, #tpu.memory_space<hbm>>) dst(%arg6 : memref<80xi32, #tpu.memory_space<vmem>>)
        tpu.yield
      }) : () -> ()
      "tpu.region"() ({
        %run_scoped3A = tpu.sem_alloc : memref<!tpu.dma_semaphore, #tpu.memory_space<semaphore_mem>>
        %dma_start3A = arith.constant 0 : i32
        %dma_start3A_22 = arith.constant 0 : i32
        %dma_start3A_23 = tpu.memref_slice %arg8[%dma_start3A, %dma_start3A_22] : memref<10112x16xf32, #tpu.memory_space<vmem_shared>> -> memref<10112x16xf32, #tpu.memory_space<vmem_shared>>
        tpu.enqueue_indirect_dma source(%arg7 : memref<80x16xf32, #tpu.memory_space<vmem>>) target(%dma_start3A_23 : memref<10112x16xf32, #tpu.memory_space<vmem_shared>>) offsets(%arg6 : memref<80xi32, #tpu.memory_space<vmem>>) semaphore(%run_scoped3A : memref<!tpu.dma_semaphore, #tpu.memory_space<semaphore_mem>>) {add = true}
        %dma_wait3A = arith.constant 0 : i32
        %dma_wait3A_24 = arith.constant 0 : i32
        %dma_wait3A_25 = tpu.memref_slice %arg8[%dma_wait3A, %dma_wait3A_24] : memref<10112x16xf32, #tpu.memory_space<vmem_shared>> -> memref<10112x16xf32, #tpu.memory_space<vmem_shared>>
        tpu.wait_indirect_dma semaphore(%run_scoped3A : memref<!tpu.dma_semaphore, #tpu.memory_space<semaphore_mem>>) src(%arg7 : memref<80x16xf32, #tpu.memory_space<vmem>>) dst(%dma_wait3A_25 : memref<10112x16xf32, #tpu.memory_space<vmem_shared>>)
        tpu.yield
      }) : () -> ()
    }
    %scan3A_9 = arith.constant 125 : i32
    %barrier3A_10 = arith.constant 0 : index
    tpu.barrier barrier_id(%barrier3A_10)
    %mul3A_11 = arith.constant 632 : i32
    %mul3A_12 = arith.muli %arg1, %mul3A_11 : i32
    %mul3A_13 = arith.constant 10112 : i32
    %mul3A_14 = arith.muli %arg0, %mul3A_13 : i32
    %mul3A_15 = arith.constant 632 : i32
    %mul3A_16 = arith.muli %arg1, %mul3A_15 : i32
    %add3A_17 = arith.addi %mul3A_14, %mul3A_16 : i32
    "tpu.region"() ({
      %run_scoped3A = tpu.sem_alloc : memref<!tpu.dma_semaphore, #tpu.memory_space<semaphore_mem>>
      %dma_start3A = arith.constant 0 : i32
      %dma_start3A_18 = tpu.memref_slice %arg5[%add3A_17, %dma_start3A] : memref<20224x16xf32, #tpu.memory_space<hbm>> -> memref<632x16xf32, #tpu.memory_space<hbm>>
      %dma_start3A_19 = arith.constant 0 : i32
      %dma_start3A_20 = tpu.memref_slice %arg8[%mul3A_12, %dma_start3A_19] : memref<10112x16xf32, #tpu.memory_space<vmem_shared>> -> memref<632x16xf32, #tpu.memory_space<vmem_shared>>
      tpu.enqueue_dma source(%dma_start3A_20 : memref<632x16xf32, #tpu.memory_space<vmem_shared>>) target(%dma_start3A_18 : memref<632x16xf32, #tpu.memory_space<hbm>>) target_semaphore(%run_scoped3A : memref<!tpu.dma_semaphore, #tpu.memory_space<semaphore_mem>>)
      %dma_wait3A = arith.constant 0 : i32
      %dma_wait3A_21 = tpu.memref_slice %arg5[%add3A_17, %dma_wait3A] : memref<20224x16xf32, #tpu.memory_space<hbm>> -> memref<632x16xf32, #tpu.memory_space<hbm>>
      %dma_wait3A_22 = arith.constant 0 : i32
      %dma_wait3A_23 = tpu.memref_slice %arg8[%mul3A_12, %dma_wait3A_22] : memref<10112x16xf32, #tpu.memory_space<vmem_shared>> -> memref<632x16xf32, #tpu.memory_space<vmem_shared>>
      tpu.wait_dma2 semaphore(%run_scoped3A : memref<!tpu.dma_semaphore, #tpu.memory_space<semaphore_mem>>) src(%dma_wait3A_23 : memref<632x16xf32, #tpu.memory_space<vmem_shared>>) dst(%dma_wait3A_21 : memref<632x16xf32, #tpu.memory_space<hbm>>)
      tpu.yield
    }) : () -> ()
    return
  }
}

#map = affine_map<(d0, d1) -> (0, 0)>
#map1 = affine_map<(d0, d1) -> (0)>
module attributes {stable_mosaic.version = 14 : i64} {
  func.func @scatter_kernel(%arg0: i32, %arg1: i32, %arg2: memref<10000x128xf32, #tpu.memory_space<hbm>>, %arg3: memref<320000xi32, #tpu.memory_space<hbm>>, %arg4: memref<320000xi32, #tpu.memory_space<hbm>>, %arg5: memref<632x128xf32, #tpu.memory_space<hbm>>, %arg6: memref<20224x128xf32, #tpu.memory_space<hbm>>, %arg7: memref<80xi32, #tpu.memory_space<vmem>>, %arg8: memref<80xi32, #tpu.memory_space<vmem>>, %arg9: memref<80x128xf32, #tpu.memory_space<vmem>>, %arg10: memref<10112x128xf32, #tpu.memory_space<vmem_shared>>, %arg11: memref<!tpu.dma_semaphore, #tpu.memory_space<semaphore_mem>>) attributes {dimension_semantics = [#tpu.dimension_semantics<core_parallel>, #tpu.dimension_semantics<subcore_parallel>], iteration_bounds = array<i64: 2, 16>, scalar_prefetch = 0 : i64, scratch_operands = 5 : i64, tpu.core_type = #tpu.core_type<sc_vector_subcore>, window_params = [{transform_indices = #map}, {transform_indices = #map1}, {transform_indices = #map1}, {transform_indices = #map}, {transform_indices = #map}]} {
    %mul3A = arith.constant 632 : i32
    %mul3A_0 = arith.muli %arg1, %mul3A : i32
    "tpu.region"() ({
      %run_scoped3A = tpu.sem_alloc : memref<!tpu.dma_semaphore, #tpu.memory_space<semaphore_mem>>
      %dma_start3A = arith.constant 0 : i32
      %dma_start3A_18 = tpu.memref_slice %arg10[%mul3A_0, %dma_start3A] : memref<10112x128xf32, #tpu.memory_space<vmem_shared>> -> memref<632x128xf32, #tpu.memory_space<vmem_shared>>
      tpu.enqueue_dma source(%arg5 : memref<632x128xf32, #tpu.memory_space<hbm>>) target(%dma_start3A_18 : memref<632x128xf32, #tpu.memory_space<vmem_shared>>) target_semaphore(%run_scoped3A : memref<!tpu.dma_semaphore, #tpu.memory_space<semaphore_mem>>)
      %dma_wait3A = arith.constant 0 : i32
      %dma_wait3A_19 = tpu.memref_slice %arg10[%mul3A_0, %dma_wait3A] : memref<10112x128xf32, #tpu.memory_space<vmem_shared>> -> memref<632x128xf32, #tpu.memory_space<vmem_shared>>
      tpu.wait_dma2 semaphore(%run_scoped3A : memref<!tpu.dma_semaphore, #tpu.memory_space<semaphore_mem>>) src(%arg5 : memref<632x128xf32, #tpu.memory_space<hbm>>) dst(%dma_wait3A_19 : memref<632x128xf32, #tpu.memory_space<vmem_shared>>)
      tpu.yield
    }) : () -> ()
    %barrier3A = arith.constant 0 : index
    tpu.barrier barrier_id(%barrier3A)
    %mul3A_1 = arith.constant 160000 : i32
    %mul3A_2 = arith.muli %arg0, %mul3A_1 : i32
    %mul3A_3 = arith.constant 10000 : i32
    %mul3A_4 = arith.muli %arg1, %mul3A_3 : i32
    %add3A = arith.addi %mul3A_2, %mul3A_4 : i32
    %scan3A = arith.constant 0 : i32
    %scan3A_5 = arith.constant 0 : i32
    %scan3A_6 = arith.constant 125 : i32
    %scan3A_7 = arith.addi %scan3A_5, %scan3A_6 : i32
    %scan3A_8 = arith.constant 1 : i32
    scf.for %scan3A_18 = %scan3A_5 to %scan3A_7 step %scan3A_8  : i32 {
      %mul3A_19 = arith.constant 80 : i32
      %mul3A_20 = arith.muli %scan3A_18, %mul3A_19 : i32
      %add3A_21 = arith.addi %add3A, %mul3A_20 : i32
      "tpu.region"() ({
        %run_scoped3A = tpu.sem_alloc : memref<!tpu.dma_semaphore, #tpu.memory_space<semaphore_mem>>
        %dma_start3A_26 = tpu.memref_slice %arg3[%add3A_21] : memref<320000xi32, #tpu.memory_space<hbm>> -> memref<80xi32, #tpu.memory_space<hbm>>
        %dma_start3A_27 = tpu.memref_slice %arg3[%add3A_21] : memref<320000xi32, #tpu.memory_space<hbm>> -> memref<80xi32, #tpu.memory_space<hbm>>
        tpu.enqueue_dma source(%dma_start3A_27 : memref<80xi32, #tpu.memory_space<hbm>>) target(%arg7 : memref<80xi32, #tpu.memory_space<vmem>>) target_semaphore(%run_scoped3A : memref<!tpu.dma_semaphore, #tpu.memory_space<semaphore_mem>>)
        %dma_wait3A_28 = tpu.memref_slice %arg3[%add3A_21] : memref<320000xi32, #tpu.memory_space<hbm>> -> memref<80xi32, #tpu.memory_space<hbm>>
        %dma_wait3A_29 = tpu.memref_slice %arg3[%add3A_21] : memref<320000xi32, #tpu.memory_space<hbm>> -> memref<80xi32, #tpu.memory_space<hbm>>
        tpu.wait_dma2 semaphore(%run_scoped3A : memref<!tpu.dma_semaphore, #tpu.memory_space<semaphore_mem>>) src(%dma_wait3A_29 : memref<80xi32, #tpu.memory_space<hbm>>) dst(%arg7 : memref<80xi32, #tpu.memory_space<vmem>>)
        tpu.yield
      }) : () -> ()
      "tpu.region"() ({
        %run_scoped3A = tpu.sem_alloc : memref<!tpu.dma_semaphore, #tpu.memory_space<semaphore_mem>>
        %dma_start3A_26 = tpu.memref_slice %arg4[%add3A_21] : memref<320000xi32, #tpu.memory_space<hbm>> -> memref<80xi32, #tpu.memory_space<hbm>>
        %dma_start3A_27 = tpu.memref_slice %arg4[%add3A_21] : memref<320000xi32, #tpu.memory_space<hbm>> -> memref<80xi32, #tpu.memory_space<hbm>>
        tpu.enqueue_dma source(%dma_start3A_27 : memref<80xi32, #tpu.memory_space<hbm>>) target(%arg8 : memref<80xi32, #tpu.memory_space<vmem>>) target_semaphore(%run_scoped3A : memref<!tpu.dma_semaphore, #tpu.memory_space<semaphore_mem>>)
        %dma_wait3A_28 = tpu.memref_slice %arg4[%add3A_21] : memref<320000xi32, #tpu.memory_space<hbm>> -> memref<80xi32, #tpu.memory_space<hbm>>
        %dma_wait3A_29 = tpu.memref_slice %arg4[%add3A_21] : memref<320000xi32, #tpu.memory_space<hbm>> -> memref<80xi32, #tpu.memory_space<hbm>>
        tpu.wait_dma2 semaphore(%run_scoped3A : memref<!tpu.dma_semaphore, #tpu.memory_space<semaphore_mem>>) src(%dma_wait3A_29 : memref<80xi32, #tpu.memory_space<hbm>>) dst(%arg8 : memref<80xi32, #tpu.memory_space<vmem>>)
        tpu.yield
      }) : () -> ()
      %dma_start3A = arith.constant 0 : i32
      %dma_start3A_22 = arith.constant 0 : i32
      %dma_start3A_23 = tpu.memref_slice %arg2[%dma_start3A, %dma_start3A_22] : memref<10000x128xf32, #tpu.memory_space<hbm>> -> memref<10000x128xf32, #tpu.memory_space<hbm>>
      tpu.enqueue_indirect_dma source(%dma_start3A_23 : memref<10000x128xf32, #tpu.memory_space<hbm>>) target(%arg9 : memref<80x128xf32, #tpu.memory_space<vmem>>) offsets(%arg7 : memref<80xi32, #tpu.memory_space<vmem>>) semaphore(%arg11 : memref<!tpu.dma_semaphore, #tpu.memory_space<semaphore_mem>>)
      %dma_wait3A = arith.constant 0 : i32
      %dma_wait3A_24 = arith.constant 0 : i32
      %dma_wait3A_25 = tpu.memref_slice %arg2[%dma_wait3A, %dma_wait3A_24] : memref<10000x128xf32, #tpu.memory_space<hbm>> -> memref<10000x128xf32, #tpu.memory_space<hbm>>
      tpu.wait_indirect_dma semaphore(%arg11 : memref<!tpu.dma_semaphore, #tpu.memory_space<semaphore_mem>>) src(%dma_wait3A_25 : memref<10000x128xf32, #tpu.memory_space<hbm>>) dst(%arg9 : memref<80x128xf32, #tpu.memory_space<vmem>>)
      "tpu.region"() ({
        %run_scoped3A = tpu.sem_alloc : memref<!tpu.dma_semaphore, #tpu.memory_space<semaphore_mem>>
        %dma_start3A_26 = arith.constant 0 : i32
        %dma_start3A_27 = arith.constant 0 : i32
        %dma_start3A_28 = tpu.memref_slice %arg10[%dma_start3A_26, %dma_start3A_27] : memref<10112x128xf32, #tpu.memory_space<vmem_shared>> -> memref<10112x128xf32, #tpu.memory_space<vmem_shared>>
        tpu.enqueue_indirect_dma source(%arg9 : memref<80x128xf32, #tpu.memory_space<vmem>>) target(%dma_start3A_28 : memref<10112x128xf32, #tpu.memory_space<vmem_shared>>) offsets(%arg8 : memref<80xi32, #tpu.memory_space<vmem>>) semaphore(%run_scoped3A : memref<!tpu.dma_semaphore, #tpu.memory_space<semaphore_mem>>) {add = true}
        %dma_wait3A_29 = arith.constant 0 : i32
        %dma_wait3A_30 = arith.constant 0 : i32
        %dma_wait3A_31 = tpu.memref_slice %arg10[%dma_wait3A_29, %dma_wait3A_30] : memref<10112x128xf32, #tpu.memory_space<vmem_shared>> -> memref<10112x128xf32, #tpu.memory_space<vmem_shared>>
        tpu.wait_indirect_dma semaphore(%run_scoped3A : memref<!tpu.dma_semaphore, #tpu.memory_space<semaphore_mem>>) src(%arg9 : memref<80x128xf32, #tpu.memory_space<vmem>>) dst(%dma_wait3A_31 : memref<10112x128xf32, #tpu.memory_space<vmem_shared>>)
        tpu.yield
      }) : () -> ()
    }
    %scan3A_9 = arith.constant 125 : i32
    %barrier3A_10 = arith.constant 0 : index
    tpu.barrier barrier_id(%barrier3A_10)
    %mul3A_11 = arith.constant 632 : i32
    %mul3A_12 = arith.muli %arg1, %mul3A_11 : i32
    %mul3A_13 = arith.constant 10112 : i32
    %mul3A_14 = arith.muli %arg0, %mul3A_13 : i32
    %mul3A_15 = arith.constant 632 : i32
    %mul3A_16 = arith.muli %arg1, %mul3A_15 : i32
    %add3A_17 = arith.addi %mul3A_14, %mul3A_16 : i32
    "tpu.region"() ({
      %run_scoped3A = tpu.sem_alloc : memref<!tpu.dma_semaphore, #tpu.memory_space<semaphore_mem>>
      %dma_start3A = arith.constant 0 : i32
      %dma_start3A_18 = tpu.memref_slice %arg6[%add3A_17, %dma_start3A] : memref<20224x128xf32, #tpu.memory_space<hbm>> -> memref<632x128xf32, #tpu.memory_space<hbm>>
      %dma_start3A_19 = arith.constant 0 : i32
      %dma_start3A_20 = tpu.memref_slice %arg10[%mul3A_12, %dma_start3A_19] : memref<10112x128xf32, #tpu.memory_space<vmem_shared>> -> memref<632x128xf32, #tpu.memory_space<vmem_shared>>
      tpu.enqueue_dma source(%dma_start3A_20 : memref<632x128xf32, #tpu.memory_space<vmem_shared>>) target(%dma_start3A_18 : memref<632x128xf32, #tpu.memory_space<hbm>>) target_semaphore(%run_scoped3A : memref<!tpu.dma_semaphore, #tpu.memory_space<semaphore_mem>>)
      %dma_wait3A = arith.constant 0 : i32
      %dma_wait3A_21 = tpu.memref_slice %arg6[%add3A_17, %dma_wait3A] : memref<20224x128xf32, #tpu.memory_space<hbm>> -> memref<632x128xf32, #tpu.memory_space<hbm>>
      %dma_wait3A_22 = arith.constant 0 : i32
      %dma_wait3A_23 = tpu.memref_slice %arg10[%mul3A_12, %dma_wait3A_22] : memref<10112x128xf32, #tpu.memory_space<vmem_shared>> -> memref<632x128xf32, #tpu.memory_space<vmem_shared>>
      tpu.wait_dma2 semaphore(%run_scoped3A : memref<!tpu.dma_semaphore, #tpu.memory_space<semaphore_mem>>) src(%dma_wait3A_23 : memref<632x128xf32, #tpu.memory_space<vmem_shared>>) dst(%dma_wait3A_21 : memref<632x128xf32, #tpu.memory_space<hbm>>)
      tpu.yield
    }) : () -> ()
    return
  }
}

module attributes {stable_mosaic.version = 14 : i64} {
  func.func @body(%arg0: i32, %arg1: memref<2000x128xf32, #tpu.memory_space<vmem>>, %arg2: memref<128x128xf32, #tpu.memory_space<vmem>>, %arg3: memref<2000x128xf32, #tpu.memory_space<vmem>>) attributes {dimension_semantics = [#tpu.dimension_semantics<arbitrary>], iteration_bounds = array<i64: 5>, scalar_prefetch = 0 : i64, scratch_operands = 0 : i64, tpu.core_type = #tpu.core_type<tc>, window_params = [{transform_indices = @transform_0, window_bounds = array<i64: 2000, 128>}, {pipeline_mode = #tpu.pipeline_mode<synchronous>, transform_indices = @transform_1, window_bounds = array<i64: 128, 128>}, {transform_indices = @transform_2, window_bounds = array<i64: 2000, 128>}]} {
    %get3A = arith.constant 0 : index
    %get3A_0 = arith.constant 0 : index
    %get3A_1 = vector.load %arg1[%get3A, %get3A_0] : memref<2000x128xf32, #tpu.memory_space<vmem>>, vector<2000x128xf32>
    %get3A_2 = arith.constant 0 : index
    %get3A_3 = arith.constant 0 : index
    %get3A_4 = vector.load %arg2[%get3A_2, %get3A_3] : memref<128x128xf32, #tpu.memory_space<vmem>>, vector<128x128xf32>
    %dot_general3A = arith.constant dense<0.000000e+00> : vector<2000x128xf32>
    %dot_general3A_5 = tpu.matmul %get3A_1, %get3A_4, %dot_general3A {dimension_numbers = #tpu.dot_dimension_numbers<[1], [0], [0], [1], [0, 0, 1, 1], [], []>, transpose_lhs_hint = false} : vector<2000x128xf32>, vector<128x128xf32>, vector<2000x128xf32> -> vector<2000x128xf32>
    %swap3A = arith.constant 0 : index
    %swap3A_6 = arith.constant 0 : index
    %swap3A_7 = vector.load %arg3[%swap3A, %swap3A_6] : memref<2000x128xf32, #tpu.memory_space<vmem>>, vector<2000x128xf32>
    tpu.vector_store %arg3[%swap3A, %swap3A_6], %dot_general3A_5 {strides = array<i32>} : memref<2000x128xf32, #tpu.memory_space<vmem>>, vector<2000x128xf32>,
    return
  }
  func.func @transform_0(%arg0: i32) -> (i32, i32) {
    %c0_i32 = arith.constant 0 : i32
    %c0_i32_0 = arith.constant 0 : i32
    return %arg0, %c0_i32 : i32, i32
  }
  func.func @transform_1(%arg0: i32) -> (i32, i32) {
    %c0_i32 = arith.constant 0 : i32
    %c0_i32_0 = arith.constant 0 : i32
    %c0_i32_1 = arith.constant 0 : i32
    return %c0_i32, %c0_i32_0 : i32, i32
  }
  func.func @transform_2(%arg0: i32) -> (i32, i32) {
    %c0_i32 = arith.constant 0 : i32
    %c0_i32_0 = arith.constant 0 : i32
    return %arg0, %c0_i32 : i32, i32
  }
}

module attributes {stable_mosaic.version = 14 : i64} {
  func.func @body(%arg0: i32, %arg1: memref<1x2000x16xf32, #tpu.memory_space<vmem>>, %arg2: memref<1x2000x16xf32, #tpu.memory_space<vmem>>, %arg3: memref<2000x128xf32, #tpu.memory_space<vmem>>, %arg4: memref<2000x128xf32, #tpu.memory_space<vmem>>, %arg5: memref<2000x1xf32, #tpu.memory_space<vmem>>) attributes {dimension_semantics = [#tpu.dimension_semantics<arbitrary>], iteration_bounds = array<i64: 5>, scalar_prefetch = 0 : i64, scratch_operands = 0 : i64, tpu.core_type = #tpu.core_type<tc>, window_params = [{transform_indices = @transform_0, window_bounds = array<i64: 1, 2000, 16>}, {transform_indices = @transform_1, window_bounds = array<i64: 1, 2000, 16>}, {transform_indices = @transform_2, window_bounds = array<i64: 2000, 128>}, {transform_indices = @transform_3, window_bounds = array<i64: 2000, 128>}, {transform_indices = @transform_4, window_bounds = array<i64: 2000, 1>}]} {
    %get3A = arith.constant 0 : index
    %get3A_0 = arith.constant 0 : index
    %get3A_1 = arith.constant 0 : index
    %get3A_2 = vector.load %arg1[%get3A, %get3A_0, %get3A_1] : memref<1x2000x16xf32, #tpu.memory_space<vmem>>, vector<1x2000x16xf32>
    %get3A_3 = vector.shape_cast %get3A_2 : vector<1x2000x16xf32> to vector<2000x16xf32>
    %slice3A = vector.extract_strided_slice %get3A_3 {offsets = [0, 0], sizes = [2000, 1], strides = [1, 1]} : vector<2000x16xf32> to vector<2000x1xf32>
    %get3A_4 = arith.constant 0 : index
    %get3A_5 = arith.constant 0 : index
    %get3A_6 = arith.constant 0 : index
    %get3A_7 = vector.load %arg2[%get3A_4, %get3A_5, %get3A_6] : memref<1x2000x16xf32, #tpu.memory_space<vmem>>, vector<1x2000x16xf32>
    %get3A_8 = vector.shape_cast %get3A_7 : vector<1x2000x16xf32> to vector<2000x16xf32>
    %slice3A_9 = vector.extract_strided_slice %get3A_8 {offsets = [0, 0], sizes = [2000, 1], strides = [1, 1]} : vector<2000x16xf32> to vector<2000x1xf32>
    %add3A = arith.addf %slice3A, %slice3A_9 : vector<2000x1xf32>
    %add3A_10 = arith.constant 1.000000e+00 : f32
    %add3A_11 = vector.broadcast %add3A_10 : f32 to vector<2000x1xf32>
    %add3A_12 = arith.addf %add3A, %add3A_11 : vector<2000x1xf32>
    %rsqrt3A = math.rsqrt %add3A_12 : vector<2000x1xf32>
    %swap3A = arith.constant 0 : index
    %swap3A_13 = arith.constant 0 : index
    %swap3A_14 = vector.load %arg5[%swap3A, %swap3A_13] : memref<2000x1xf32, #tpu.memory_space<vmem>>, vector<2000x1xf32>
    tpu.vector_store %arg5[%swap3A, %swap3A_13], %rsqrt3A {strides = array<i32>} : memref<2000x1xf32, #tpu.memory_space<vmem>>, vector<2000x1xf32>,
    %get3A_15 = arith.constant 0 : index
    %get3A_16 = arith.constant 0 : index
    %get3A_17 = vector.load %arg3[%get3A_15, %get3A_16] : memref<2000x128xf32, #tpu.memory_space<vmem>>, vector<2000x128xf32>
    %mul3A = vector.broadcast %rsqrt3A : vector<2000x1xf32> to vector<2000x128xf32>
    %mul3A_18 = arith.mulf %get3A_17, %mul3A : vector<2000x128xf32>
    %swap3A_19 = arith.constant 0 : index
    %swap3A_20 = arith.constant 0 : index
    %swap3A_21 = vector.load %arg4[%swap3A_19, %swap3A_20] : memref<2000x128xf32, #tpu.memory_space<vmem>>, vector<2000x128xf32>
    tpu.vector_store %arg4[%swap3A_19, %swap3A_20], %mul3A_18 {strides = array<i32>} : memref<2000x128xf32, #tpu.memory_space<vmem>>, vector<2000x128xf32>,
    return
  }
  func.func @transform_0(%arg0: i32) -> (i32, i32, i32) {
    %c0_i32 = arith.constant 0 : i32
    %c0_i32_0 = arith.constant 0 : i32
    %c0_i32_1 = arith.constant 0 : i32
    return %c0_i32, %arg0, %c0_i32_0 : i32, i32, i32
  }
  func.func @transform_1(%arg0: i32) -> (i32, i32, i32) {
    %c1_i32 = arith.constant 1 : i32
    %c0_i32 = arith.constant 0 : i32
    %c0_i32_0 = arith.constant 0 : i32
    return %c1_i32, %arg0, %c0_i32 : i32, i32, i32
  }
  func.func @transform_2(%arg0: i32) -> (i32, i32) {
    %c0_i32 = arith.constant 0 : i32
    %c0_i32_0 = arith.constant 0 : i32
    return %arg0, %c0_i32 : i32, i32
  }
  func.func @transform_3(%arg0: i32) -> (i32, i32) {
    %c0_i32 = arith.constant 0 : i32
    %c0_i32_0 = arith.constant 0 : i32
    return %arg0, %c0_i32 : i32, i32
  }
  func.func @transform_4(%arg0: i32) -> (i32, i32) {
    %c0_i32 = arith.constant 0 : i32
    %c0_i32_0 = arith.constant 0 : i32
    return %arg0, %c0_i32 : i32, i32
  }
}

module attributes {stable_mosaic.version = 14 : i64} {
  func.func @body(%arg0: i32, %arg1: memref<1x2000x128xf32, #tpu.memory_space<vmem>>, %arg2: memref<1x2000x128xf32, #tpu.memory_space<vmem>>, %arg3: memref<2000x128xf32, #tpu.memory_space<vmem>>, %arg4: memref<2000x1xf32, #tpu.memory_space<vmem>>, %arg5: memref<1x128xf32, #tpu.memory_space<vmem>>, %arg6: memref<128x32xf32, #tpu.memory_space<vmem>>, %arg7: memref<2000x32xf32, #tpu.memory_space<vmem>>) attributes {dimension_semantics = [#tpu.dimension_semantics<arbitrary>], iteration_bounds = array<i64: 5>, scalar_prefetch = 0 : i64, scratch_operands = 0 : i64, tpu.core_type = #tpu.core_type<tc>, window_params = [{transform_indices = @transform_0, window_bounds = array<i64: 1, 2000, 128>}, {transform_indices = @transform_1, window_bounds = array<i64: 1, 2000, 128>}, {transform_indices = @transform_2, window_bounds = array<i64: 2000, 128>}, {transform_indices = @transform_3, window_bounds = array<i64: 2000, 1>}, {pipeline_mode = #tpu.pipeline_mode<synchronous>, transform_indices = @transform_4, window_bounds = array<i64: 1, 128>}, {pipeline_mode = #tpu.pipeline_mode<synchronous>, transform_indices = @transform_5, window_bounds = array<i64: 128, 32>}, {transform_indices = @transform_6, window_bounds = array<i64: 2000, 32>}]} {
    %get3A = arith.constant 0 : index
    %get3A_0 = arith.constant 0 : index
    %get3A_1 = vector.load %arg4[%get3A, %get3A_0] : memref<2000x1xf32, #tpu.memory_space<vmem>>, vector<2000x1xf32>
    %get3A_2 = arith.constant 0 : index
    %get3A_3 = arith.constant 0 : index
    %get3A_4 = arith.constant 0 : index
    %get3A_5 = vector.load %arg1[%get3A_2, %get3A_3, %get3A_4] : memref<1x2000x128xf32, #tpu.memory_space<vmem>>, vector<1x2000x128xf32>
    %get3A_6 = vector.shape_cast %get3A_5 : vector<1x2000x128xf32> to vector<2000x128xf32>
    %get3A_7 = arith.constant 0 : index
    %get3A_8 = arith.constant 0 : index
    %get3A_9 = arith.constant 0 : index
    %get3A_10 = vector.load %arg2[%get3A_7, %get3A_8, %get3A_9] : memref<1x2000x128xf32, #tpu.memory_space<vmem>>, vector<1x2000x128xf32>
    %get3A_11 = vector.shape_cast %get3A_10 : vector<1x2000x128xf32> to vector<2000x128xf32>
    %add3A = arith.addf %get3A_6, %get3A_11 : vector<2000x128xf32>
    %get3A_12 = arith.constant 0 : index
    %get3A_13 = arith.constant 0 : index
    %get3A_14 = vector.load %arg3[%get3A_12, %get3A_13] : memref<2000x128xf32, #tpu.memory_space<vmem>>, vector<2000x128xf32>
    %add3A_15 = arith.addf %add3A, %get3A_14 : vector<2000x128xf32>
    %mul3A = vector.broadcast %get3A_1 : vector<2000x1xf32> to vector<2000x128xf32>
    %mul3A_16 = arith.mulf %add3A_15, %mul3A : vector<2000x128xf32>
    %get3A_17 = arith.constant 0 : index
    %get3A_18 = arith.constant 0 : index
    %get3A_19 = vector.load %arg5[%get3A_17, %get3A_18] : memref<1x128xf32, #tpu.memory_space<vmem>>, vector<1x128xf32>
    %add3A_20 = vector.broadcast %get3A_19 : vector<1x128xf32> to vector<2000x128xf32>
    %add3A_21 = arith.addf %mul3A_16, %add3A_20 : vector<2000x128xf32>
    %max3A = arith.constant 0.000000e+00 : f32
    %max3A_22 = vector.broadcast %max3A : f32 to vector<2000x128xf32>
    %max3A_23 = arith.maximumf %add3A_21, %max3A_22 : vector<2000x128xf32>
    %get3A_24 = arith.constant 0 : index
    %get3A_25 = arith.constant 0 : index
    %get3A_26 = vector.load %arg6[%get3A_24, %get3A_25] : memref<128x32xf32, #tpu.memory_space<vmem>>, vector<128x32xf32>
    %dot_general3A = arith.constant dense<0.000000e+00> : vector<2000x32xf32>
    %dot_general3A_27 = tpu.matmul %max3A_23, %get3A_26, %dot_general3A {dimension_numbers = #tpu.dot_dimension_numbers<[1], [0], [0], [1], [0, 0, 1, 1], [], []>, transpose_lhs_hint = false} : vector<2000x128xf32>, vector<128x32xf32>, vector<2000x32xf32> -> vector<2000x32xf32>
    %mul3A_28 = vector.broadcast %get3A_1 : vector<2000x1xf32> to vector<2000x32xf32>
    %mul3A_29 = arith.mulf %dot_general3A_27, %mul3A_28 : vector<2000x32xf32>
    %swap3A = arith.constant 0 : index
    %swap3A_30 = arith.constant 0 : index
    %swap3A_31 = vector.load %arg7[%swap3A, %swap3A_30] : memref<2000x32xf32, #tpu.memory_space<vmem>>, vector<2000x32xf32>
    tpu.vector_store %arg7[%swap3A, %swap3A_30], %mul3A_29 {strides = array<i32>} : memref<2000x32xf32, #tpu.memory_space<vmem>>, vector<2000x32xf32>,
    return
  }
  func.func @transform_0(%arg0: i32) -> (i32, i32, i32) {
    %c0_i32 = arith.constant 0 : i32
    %c0_i32_0 = arith.constant 0 : i32
    %c0_i32_1 = arith.constant 0 : i32
    return %c0_i32, %arg0, %c0_i32_0 : i32, i32, i32
  }
  func.func @transform_1(%arg0: i32) -> (i32, i32, i32) {
    %c1_i32 = arith.constant 1 : i32
    %c0_i32 = arith.constant 0 : i32
    %c0_i32_0 = arith.constant 0 : i32
    return %c1_i32, %arg0, %c0_i32 : i32, i32, i32
  }
  func.func @transform_2(%arg0: i32) -> (i32, i32) {
    %c0_i32 = arith.constant 0 : i32
    %c0_i32_0 = arith.constant 0 : i32
    return %arg0, %c0_i32 : i32, i32
  }
  func.func @transform_3(%arg0: i32) -> (i32, i32) {
    %c0_i32 = arith.constant 0 : i32
    %c0_i32_0 = arith.constant 0 : i32
    return %arg0, %c0_i32 : i32, i32
  }
  func.func @transform_4(%arg0: i32) -> (i32, i32) {
    %c0_i32 = arith.constant 0 : i32
    %c0_i32_0 = arith.constant 0 : i32
    %c0_i32_1 = arith.constant 0 : i32
    return %c0_i32, %c0_i32_0 : i32, i32
  }
  func.func @transform_5(%arg0: i32) -> (i32, i32) {
    %c0_i32 = arith.constant 0 : i32
    %c0_i32_0 = arith.constant 0 : i32
    %c0_i32_1 = arith.constant 0 : i32
    return %c0_i32, %c0_i32_0 : i32, i32
  }
  func.func @transform_6(%arg0: i32) -> (i32, i32) {
    %c0_i32 = arith.constant 0 : i32
    %c0_i32_0 = arith.constant 0 : i32
    return %arg0, %c0_i32 : i32, i32
  }
}

module attributes {stable_mosaic.version = 14 : i64} {
  func.func @body(%arg0: i32, %arg1: memref<1x2000x32xf32, #tpu.memory_space<vmem>>, %arg2: memref<1x2000x32xf32, #tpu.memory_space<vmem>>, %arg3: memref<2000x32xf32, #tpu.memory_space<vmem>>, %arg4: memref<2000x1xf32, #tpu.memory_space<vmem>>, %arg5: memref<1x32xf32, #tpu.memory_space<vmem>>, %arg6: memref<2000x32xf32, #tpu.memory_space<vmem>>) attributes {dimension_semantics = [#tpu.dimension_semantics<arbitrary>], iteration_bounds = array<i64: 5>, scalar_prefetch = 0 : i64, scratch_operands = 0 : i64, tpu.core_type = #tpu.core_type<tc>, window_params = [{transform_indices = @transform_0, window_bounds = array<i64: 1, 2000, 32>}, {transform_indices = @transform_1, window_bounds = array<i64: 1, 2000, 32>}, {transform_indices = @transform_2, window_bounds = array<i64: 2000, 32>}, {transform_indices = @transform_3, window_bounds = array<i64: 2000, 1>}, {pipeline_mode = #tpu.pipeline_mode<synchronous>, transform_indices = @transform_4, window_bounds = array<i64: 1, 32>}, {transform_indices = @transform_5, window_bounds = array<i64: 2000, 32>}]} {
    %get3A = arith.constant 0 : index
    %get3A_0 = arith.constant 0 : index
    %get3A_1 = arith.constant 0 : index
    %get3A_2 = vector.load %arg1[%get3A, %get3A_0, %get3A_1] : memref<1x2000x32xf32, #tpu.memory_space<vmem>>, vector<1x2000x32xf32>
    %get3A_3 = vector.shape_cast %get3A_2 : vector<1x2000x32xf32> to vector<2000x32xf32>
    %get3A_4 = arith.constant 0 : index
    %get3A_5 = arith.constant 0 : index
    %get3A_6 = arith.constant 0 : index
    %get3A_7 = vector.load %arg2[%get3A_4, %get3A_5, %get3A_6] : memref<1x2000x32xf32, #tpu.memory_space<vmem>>, vector<1x2000x32xf32>
    %get3A_8 = vector.shape_cast %get3A_7 : vector<1x2000x32xf32> to vector<2000x32xf32>
    %add3A = arith.addf %get3A_3, %get3A_8 : vector<2000x32xf32>
    %get3A_9 = arith.constant 0 : index
    %get3A_10 = arith.constant 0 : index
    %get3A_11 = vector.load %arg3[%get3A_9, %get3A_10] : memref<2000x32xf32, #tpu.memory_space<vmem>>, vector<2000x32xf32>
    %add3A_12 = arith.addf %add3A, %get3A_11 : vector<2000x32xf32>
    %get3A_13 = arith.constant 0 : index
    %get3A_14 = arith.constant 0 : index
    %get3A_15 = vector.load %arg4[%get3A_13, %get3A_14] : memref<2000x1xf32, #tpu.memory_space<vmem>>, vector<2000x1xf32>
    %mul3A = vector.broadcast %get3A_15 : vector<2000x1xf32> to vector<2000x32xf32>
    %mul3A_16 = arith.mulf %add3A_12, %mul3A : vector<2000x32xf32>
    %get3A_17 = arith.constant 0 : index
    %get3A_18 = arith.constant 0 : index
    %get3A_19 = vector.load %arg5[%get3A_17, %get3A_18] : memref<1x32xf32, #tpu.memory_space<vmem>>, vector<1x32xf32>
    %add3A_20 = vector.broadcast %get3A_19 : vector<1x32xf32> to vector<2000x32xf32>
    %add3A_21 = arith.addf %mul3A_16, %add3A_20 : vector<2000x32xf32>
    %swap3A = arith.constant 0 : index
    %swap3A_22 = arith.constant 0 : index
    %swap3A_23 = vector.load %arg6[%swap3A, %swap3A_22] : memref<2000x32xf32, #tpu.memory_space<vmem>>, vector<2000x32xf32>
    tpu.vector_store %arg6[%swap3A, %swap3A_22], %add3A_21 {strides = array<i32>} : memref<2000x32xf32, #tpu.memory_space<vmem>>, vector<2000x32xf32>,
    return
  }
  func.func @transform_0(%arg0: i32) -> (i32, i32, i32) {
    %c0_i32 = arith.constant 0 : i32
    %c0_i32_0 = arith.constant 0 : i32
    %c0_i32_1 = arith.constant 0 : i32
    return %c0_i32, %arg0, %c0_i32_0 : i32, i32, i32
  }
  func.func @transform_1(%arg0: i32) -> (i32, i32, i32) {
    %c1_i32 = arith.constant 1 : i32
    %c0_i32 = arith.constant 0 : i32
    %c0_i32_0 = arith.constant 0 : i32
    return %c1_i32, %arg0, %c0_i32 : i32, i32, i32
  }
  func.func @transform_2(%arg0: i32) -> (i32, i32) {
    %c0_i32 = arith.constant 0 : i32
    %c0_i32_0 = arith.constant 0 : i32
    return %arg0, %c0_i32 : i32, i32
  }
  func.func @transform_3(%arg0: i32) -> (i32, i32) {
    %c0_i32 = arith.constant 0 : i32
    %c0_i32_0 = arith.constant 0 : i32
    return %arg0, %c0_i32 : i32, i32
  }
  func.func @transform_4(%arg0: i32) -> (i32, i32) {
    %c0_i32 = arith.constant 0 : i32
    %c0_i32_0 = arith.constant 0 : i32
    %c0_i32_1 = arith.constant 0 : i32
    return %c0_i32, %c0_i32_0 : i32, i32
  }
  func.func @transform_5(%arg0: i32) -> (i32, i32) {
    %c0_i32 = arith.constant 0 : i32
    %c0_i32_0 = arith.constant 0 : i32
    return %arg0, %c0_i32 : i32, i32
  }
}

</mosaic_0001>

<sc_bundles>
// kernel: kernel.12.cloned.1.call-start
scs
__scs_entry_jumppad:
0x0: {  	(pc) =	sbr.rel $0x88, $3  }
0x1: {  	(tag) =	ssettag $0x0;
	lr =	simm.s32 $0x1  }
0x2: {  	[smem:$0x3F9B] =	sst lr;
	_ =	strace $0xD0000000  }
0x3: {  	_ = 	snop  }
0x4: {  	_ = 	snop  }
0x5: {  	_ = 	snop  }
0x6: {  	_ = 	snop  }
0x7: {  	_ = 	snop  }
__scs_overlays_trampoline_lowered:
0x8: {  	[smem:$0x3FAA] =	sst s0  }
0x9: {  	[smem:$0x3FAB] =	sst s1  }
0xa: {  	[smem:$0x3FAC] =	sst s2  }
0xb: {  	[smem:$0x3FAD] =	sst s3  }
0xc: {  	[smem:$0x3FAE] =	sst s4  }
0xd: {  	[smem:$0x3FAF] =	sst s5  }
0xe: {  	[smem:$0x3FB0] =	sst s6  }
0xf: {  	[smem:$0x3FB1] =	sst s7  }
0x10: {  	[smem:$0x3FB2] =	sst s8  }
0x11: {  	[smem:$0x3FB3] =	sst s9;
	s0 =	simm.s32 @!p0 $0x0  }
0x12: {  	s1 =	sld [smem:$0x3F99];
	s0 =	simm.s32 @p0 $0x1  }
0x13: {  	[smem:$0x3FB4] =	sst s0;
	s0 =	simm.s32 @!p1 $0x0  }
0x14: {  	s2 =	sld [smem:$0x3F98];
	s0 =	simm.s32 @p1 $0x1  }
0x15: {  	[smem:$0x3FB5] =	sst s0;
	s0 =	simm.s32 @!p2 $0x0  }
0x16: {  	s3 =	sld [smem:$0x3FDB];
	s0 =	simm.s32 @p2 $0x1  }
0x17: {  	s4 =	simm.s32 $0x1BF5;
	[smem:$0x3FB7] =	sst s0  }
0x18: {  	s0 =	sld [smem:$0x3F9A];
	_ =	swait.ge [sflag:s4], $0x0  }
0x19: {  	s7 =	sld [smem:$0x3F9B]  }
0x1a: {  	s8 =	sadd.s32 $0xFFFFE003, lr  }
0x1b: {  	s9 =	sadd.s32 $0xFFFFFEF7, lr;
	s5 =	simm.s32 $0xFFFFFFFF;
	p2 =	slt.u32 s8, $0xFFFFF086  }
0x1c: {  	p1 =	slt.u32 s9, $0xF7A;
	s5 =	simm.s32 @!p2 $0x0  }
0x1d: {  	s5 =	simm.s32 @p1 $0x1;
	p0 =	seq.s32 s7, s2  }
0x1e: {  	s7 =	smul.u32 @!p0 $0xF7A, s2;
	p2 =	seq.s32 @!p0 s5, $0x0  }
0x1f: {  	s9 =	smul.u32 $0xF7A, s1;
	s8 =	simm.s32 @!p0 $0x1BF5;
	p2 =	por !p2, p0  }
0x20: {  	[sflag:s8] =	ssyncset.s32 @!p0 $0xFFFFF086;
	s6 =	sadd.s32 @!p0 s3, s7;
	s7 =	simm.s32 @!p0 $0x108  }
0x21: {  	s3 =	sadd.s32 s3, s9;
	s6 =	sadd.s32 @!p0 $0x88, s6;
	s7 =	simm.s32 @p2 $0x1082  }
0x22: {  	[simem:s7], [sflag:s8] =	dma.local @!p0 [hbm:s6], $0xF7A  }
0x23: {  	s9 =	sor.u32 $0xD0000000, s2;
	s6 =	simm.s32 $0x108;
	_ =	swait.ge @!p0 [sflag:s8], $0x0  }
0x24: {  	s3 =	sadd.s32 $0x88, s3;
	s6 =	simm.s32 @!p1 $0x1082;
	[sflag:s4] =	ssyncset.s32 $0xFFFFF086  }
0x25: {  	[simem:s6], [sflag:s4] =	dma.local [hbm:s3], $0xF7A  }
0x26: {  	[smem:$0x3F9B] =	sst s1;
	(tag) =	ssettag s2;
	_ =	strace s9  }
0x27: {  	s1 =	sld [smem:$0x3FAB]  }
0x28: {  	s2 =	sld [smem:$0x3FAC]  }
0x29: {  	s4 =	sld [smem:$0x3FAE]  }
0x2a: {  	p0 =	seq.s32 s5, $0x0;
	s5 =	sld [smem:$0x3FAF]  }
0x2b: {  	s6 =	sld [smem:$0x3FB0]  }
0x2c: {  	s7 =	sld [smem:$0x3FB1]  }
0x2d: {  	s3 =	simm.s32 $0x108;
	s8 =	sld [smem:$0x3FB2]  }
0x2e: {  	s3 =	simm.s32 @!p0 $0x1082;
	s9 =	sld [smem:$0x3FB3]  }
0x2f: {  	lr =	sadd.s32 s0, s3;
	s0 =	sld [smem:$0x3FAA]  }
0x30: {  	s3 =	sld [smem:$0x3FAD]  }
0x31: {  	[smem:$0x3FB6] =	sst s10  }
0x32: {  	s10 =	sld [smem:$0x3FB4];
	_ =	sdelay $0x3  }
0x33: {  	p0 =	seq.s32 s10, $0x1;
	s10 =	sld [smem:$0x3FB6];
	_ =	sdelay $0x3  }
0x34: {  	[smem:$0x3FB6] =	sst s10  }
0x35: {  	s10 =	sld [smem:$0x3FB5];
	_ =	sdelay $0x3  }
0x36: {  	p1 =	seq.s32 s10, $0x1;
	s10 =	sld [smem:$0x3FB6];
	_ =	sdelay $0x3  }
0x37: {  	[smem:$0x3FB6] =	sst s10  }
0x38: {  	s10 =	sld [smem:$0x3FB7]  }
0x39: {  	_ = 	snop;
	(pc) =	sbr.ind lr, $3  }
0x3a: {  	_ = 	snop  }
0x3b: {  	_ = 	snop  }
0x3c: {  	p2 =	seq.s32 s10, $0x1;
	s10 =	sld [smem:$0x3FB6]  }
0x3d: {  	_ =	shalt  }
0x3e: {  	_ =	shalt  }
0x3f: {  	_ =	shalt  }
0x40: {  	_ =	shalt  }
0x41: {  	_ =	shalt  }
0x42: {  	_ =	shalt  }
0x43: {  	_ =	shalt  }
0x44: {  	_ =	shalt  }
0x45: {  	_ =	shalt  }
0x46: {  	_ =	shalt  }
0x47: {  	_ =	shalt  }
0x48: {  	_ =	shalt  }
0x49: {  	_ =	shalt  }
0x4a: {  	_ =	shalt  }
0x4b: {  	_ =	shalt  }
0x4c: {  	_ =	shalt  }
0x4d: {  	_ =	shalt  }
0x4e: {  	_ =	shalt  }
0x4f: {  	_ =	shalt  }
0x50: {  	_ =	shalt  }
0x51: {  	_ =	shalt  }
0x52: {  	_ =	shalt  }
0x53: {  	_ =	shalt  }
0x54: {  	_ =	shalt  }
0x55: {  	_ =	shalt  }
0x56: {  	_ =	shalt  }
0x57: {  	_ =	shalt  }
0x58: {  	_ =	shalt  }
0x59: {  	_ =	shalt  }
0x5a: {  	_ =	shalt  }
0x5b: {  	_ =	shalt  }
0x5c: {  	_ =	shalt  }
0x5d: {  	_ =	shalt  }
0x5e: {  	_ =	shalt  }
0x5f: {  	_ =	shalt  }
0x60: {  	_ =	shalt  }
0x61: {  	_ =	shalt  }
0x62: {  	_ =	shalt  }
0x63: {  	_ =	shalt  }
0x64: {  	_ =	shalt  }
0x65: {  	_ =	shalt  }
0x66: {  	_ =	shalt  }
0x67: {  	_ =	shalt  }
0x68: {  	_ =	shalt  }
0x69: {  	_ =	shalt  }
0x6a: {  	_ =	shalt  }
0x6b: {  	_ =	shalt  }
0x6c: {  	_ =	shalt  }
0x6d: {  	_ =	shalt  }
0x6e: {  	_ =	shalt  }
0x6f: {  	_ =	shalt  }
0x70: {  	_ =	shalt  }
0x71: {  	_ =	shalt  }
0x72: {  	_ =	shalt  }
0x73: {  	_ =	shalt  }
0x74: {  	_ =	shalt  }
0x75: {  	_ =	shalt  }
0x76: {  	_ =	shalt  }
0x77: {  	_ =	shalt  }
0x78: {  	_ =	shalt  }
0x79: {  	_ =	shalt  }
0x7a: {  	_ =	shalt  }
0x7b: {  	_ =	shalt  }
0x7c: {  	_ =	shalt  }
0x7d: {  	_ =	shalt  }
0x7e: {  	_ =	shalt  }
0x7f: {  	_ =	shalt  }
0x80: {  	_ =	shalt  }
0x81: {  	_ =	shalt  }
0x82: {  	_ =	shalt  }
0x83: {  	_ =	shalt  }
0x84: {  	_ =	shalt  }
0x85: {  	_ =	shalt  }
0x86: {  	_ =	shalt  }
0x87: {  	_ =	shalt  }
.Lfunc_end0:
.L_simem_size_0:
called_computation.1_lowered:
.L_overlay_start_0:
0x88: {  	s2 =	sld [smem:$0x3FD9]  }
0x89: {  	s3 =	sld [smem:$0x3FFE];
	_ =	sdelay $0x1  }
0x8a: {  	s1 =	srdreg.scid  }
0x8b: {  	s0 =	sand.u32 $0x1, s1  }
0x8c: {  	s17 =	sshll.u32 s0, $0xA;
	s2 =	sadd.s32 s3, s2  }
0x8d: {  	s2 =	sadd.s32 s2, s17  }
0x8e: {  	[smem:$0x3FC2] =	sst s2  }
0x8f: {  	_ = 	snop  }
0x90: {  	s2 =	sld [smem:$0x3FD0];
	(tm) =	ssettm $0x1  }
0x91: {  	s18 =	sld [smem:$0x3FFB];
	_ =	sdelay $0x3  }
0x92: {  	_ =	strace s18  }
0x93: {  	s3 =	sld [smem:$0x3FFC];
	_ =	sdelay $0x3  }
0x94: {  	_ =	strace s3  }
0x95: {  	s3 =	sld [smem:$0x3FFD];
	_ =	sdelay $0x3  }
0x96: {  	_ =	strace s3  }
0x97: {  	_ =	strace $0x8FFFFFFF  }
0x98: {  	s19 =	sld [smem:$0x3FDB];
	_ =	sdelay $0x1  }
0x99: {  	s4 =	simm.s32 $_scs_section_size  }
0x9a: {  	s5 =	simm.s32 $_size__tile_overlayer_lowered;
	s6 =	simm.s32 $_tile_overlayer_lowered  }
0x9b: {  	s22 =	simm.s32 $0x1BFF;
	s21 =	sshll.u32 s6, $0x1;
	s3 =	sadd.s32 s4, s19  }
0x9c: {  	s7 =	simm.s32 $0x0;
	s20 =	sshll.u32 s5, $0x1;
	s5 =	sadd.s32 s21, s3  }
0x9d: {  	[timem:s7], [sflag:s22] =	dma.local [hbm:s5], s20  }
0x9e: {  	_ =	swait.ge [sflag:s22], s20  }
0x9f: {  	s4 =	ssub.s32 $0x0, s20;
	[sflag:s22] =	ssyncset.done $0x0  }
0xa0: {  	[sflag:s22] =	ssyncadd.s32 s4;
	_ =	sdelay $0x1  }
0xa1: {  	s23 =	simm.s32 $0x1B8B  }
0xa2: {  	_ =	swait.ge [sflag:s23], $0x1  }
0xa3: {  	[sflag:s23] =	ssyncset.done $0x0  }
0xa4: {  	s25 =	simm.s32 $0x1B8E;
	s24 =	sld [smem:$0x3FFE];
	[sflag:s23] =	ssyncadd.s32 $0xFFFFFFFF  }
0xa5: {  	s26 =	simm.s32 $execute0_lowered;
	[smem:$0x3FD2] =	sst s25  }
0xa6: {  	s5 =	sshll.u32 s26, $0x1;
	_ =	strace $0x80000049;
	[dreg:$0x1] =	wrdreg $0xFFFFFFFF  }
0xa7: {  	s28 =	simm.s32 $_size_execute0_lowered;
	s3 =	sadd.s32 s3, s5;
	[dreg:$0x0] =	wrdreg $0x0  }
0xa8: {  	s5 =	sshll.u32 s28, $0x1;
	[dreg:$0x2] =	wrdreg s3  }
0xa9: {  	[dreg:$0x3] =	wrdreg s5  }
0xaa: {  	[dreg:$0x4] =	wrdreg $0xC0  }
0xab: {  	_ =	task [dreg:s7], $0x5FFFF  }
0xac: {  	[dreg:$0x1] =	wrdreg $0xFFFFFFFF  }
0xad: {  	[dreg:$0x0] =	wrdreg $0x60  }
0xae: {  	[dreg:$0x2] =	wrdreg s24  }
0xaf: {  	[dreg:$0x3] =	wrdreg s2  }
0xb0: {  	[dreg:$0x4] =	wrdreg $0x28A00  }
0xb1: {  	[dreg:$0x5] =	wrdreg $0x9  }
0xb2: {  	_ =	task.clear_ibuf [dreg:s7], $0x6FFFF;
	_ =	strace $0x90000049  }
0xb3: {  	s29 =	simm.s32 $0x9;
	_ =	strace $0x8000004B  }
0xb4: {  	_ =	swait.ge [sflag:s29], $0x1  }
0xb5: {  	[sflag:s29] =	ssyncadd.s32 $0xFFFFFFFF  }
0xb6: {  	_ =	strace $0x9000004B  }
0xb7: {  	_ =	sfence  }
0xb8: {  	s30 =	sld [smem:$0x0];
	_ =	sdelay $0x2  }
0xb9: {  	s31 =	sshll.u32 s1, $0xD;
	s1 =	sshrl.u32 s1, $0x2  }
0xba: {  	s3 =	sand.u32 $0x4000, s31;
	s1 =	sadd.s32 s1, s30  }
0xbb: {  	s0 =	sor.u32 s3, s0;
	s1 =	sshll.u32 s1, $0x11  }
0xbc: {  	s0 =	sor.u32 s1, s0  }
0xbd: {  	s0 =	sadd.s32 $0x8F2B, s0  }
0xbe: {  	[sflag:s0] =	ssyncadd.remote.s32 $0x1  }
0xbf: {  	_ =	sfence.sel $0xFFFF  }
0xc0: {  	[dreg:$0x0] =	wrdreg $0xFFFFFFFF;
	(pc) =	sbr.abs _section_cstart, $3  }
0xc1: {  	[dreg:$0x1] =	wrdreg $0xFFFFFFFF  }
0xc2: {  	_ =	task.clear_ibuf [dreg:s7], $0x2FFFF;
	_ =	strace $0x9FFFFFFF  }
0xc3: {  	(tm) =	ssettm $0x7FFFFFFF  }
tec
execute0_lowered:
.L_overlay_start_1:
0x0: {  	(tag) =	ssettag $0x1  }
0x1: {  	s6 =	rddreg [dreg:$0x0]  }
0x2: {  	s2 =	rddreg [dreg:$0x1]  }
0x3: {  	s0 =	srdreg.scid;
	s3 =	rddreg [dreg:$0x2]  }
0x4: {  	s1 =	rddreg [dreg:$0x3];
	s7 =	sand.u32 $0x1, s0  }
0x5: {  	s0 =	stileid.u32;
	s5 =	smul.u32 $0x27100, s7  }
0x6: {  	s4 =	simm.s32 $0x0;
	s13 =	simm.s32 $0x50;
	s8 =	smul.u32 $0x2710, s0  }
0x7: {  	s14 =	simm.s32 $0xA0;
	s15 =	simm.s32 $0x1;
	s9 =	smul.u32 $0x2780, s0  }
0x8: {  	s16 =	simm.s32 $0x0;
	[smem:$0x7FF] =	sst s4;
	s10 =	smul.u32 $0x27800, s7  }
0x9: {  	_ =	strace $0x8000004A;
	s7 =	ssub.s32 $0x2, s7;
	s25 =	smul.u32 $0x4F000, s0  }
0xa: {  	s31 =	sshll.u32 s0, $0x6;
	s28 =	sshrl.u32 s7, $0x1;
	s8 =	sadd.s32 s8, s5  }
0xb: {  	s5 =	sadd.s32 $0x15C00, s6;
	s9 =	sadd.s32 s9, s10;
	s29 =	ssub.s32 s7, s28  }
0xc: {  	s30 =	sshrl.u32 s25, $0x2;
	s8 =	sshrl.u32 s8, $0x3;
	s26 =	sadd.s32 s9, s6  }
0xd: {  	s12 =	sadd.s32 s30, s3;
	s11 =	sadd.s32 s8, s6;
	s6 =	sor.u32 $0x1C02, s31  }
0xe: {  	s7 =	sadd.s32 $0x3CE00, s26;
	s8 =	smax.u32 s29, $0x1;
	s9 =	sadd.s32 $0xBE00, s11  }
0xf: {  	s10 =	sadd.s32 $0x2000, s11;
	s11 =	sshrl.u32 s12, $0x3;
	s12 =	simm.s32 $0x2  }
.LBB2_1:
0x10: {  	[spmem:s11], [sflag:s6] =	dma.local [hbm:s2], $0x2780  }
0x11: {  	_ =	swait.ge [sflag:s12], $0x2780  }
0x12: {  	[sflag:s12] =	ssyncset.done $0x0  }
0x13: {  	[sflag:s12] =	ssyncadd.s32 $0xFFFFD880  }
0x14: {  	s17 =	sadd.s32 $0x0, s10;
	[bflag:$0x0] =	sbarrier.arrive $0xFFFF  }
0x15: {  	[tilespmem:s4], [sflag:$0x2] =	stream.linear.gather [hbm4b:s17+s4], $0x50, $0x38;
	[tilespmem:$0x164A0] =	vst v63  }
0x16: {  	_ =	swait.ge [sflag:s12], $0x50  }
0x17: {  	[sflag:s12] =	ssyncset.done $0x0  }
0x18: {  	s31 =	sadd.s32 $0x0, s9;
	[sflag:s12] =	ssyncadd.s32 $0xFFFFFFB0  }
0x19: {  	[tilespmem:s13], [sflag:$0x2] =	stream.linear.gather [hbm4b:s31+s4], $0x50, $0x38;
	[tilespmem:$0x164A0] =	vst v63  }
0x1a: {  	_ =	swait.ge [sflag:s12], $0x50  }
0x1b: {  	[sflag:s12] =	ssyncset.done $0x0  }
0x1c: {  	[sflag:s12] =	ssyncadd.s32 $0xFFFFFFB0  }
0x1d: {  	[tilespmem:s14], [sflag:$0x1] =	stream.indirect.gather [hbm4b:s5+s13], $0x80, s4, s13, $0xb8;
	[tilespmem:$0x164A0] =	vst v63  }
0x1e: {  	_ =	swait.ge [sflag:s15], $0x2800  }
0x1f: {  	[sflag:s15] =	ssyncset.done $0x0  }
0x20: {  	[sflag:s15] =	ssyncadd.s32 $0xFFFFD800  }
0x21: {  	[spmem:s3] =	stream.indirect.scatter.add.f32 [tilespmem:s14], [sflag:$0x2], $0x80, s13, s13, $0xb8;
	[tilespmem:$0x164A0] =	vst v63  }
0x22: {  	_ =	swait.ge [sflag:s12], $0x2800  }
0x23: {  	s18 =	simm.s32 $0x14;
	s17 =	simm.s32 $0xA;
	[sflag:s12] =	ssyncset.done $0x0  }
.LBB2_2:
0x24: {  	s19 =	sadd.s32 s17, s10  }
0x25: {  	[sflag:s12] =	ssyncadd.s32 $0xFFFFD800;
	s20 =	smov.u32 s18;
	s21 =	sadd.s32 $0xA, s18  }
0x26: {  	[tilespmem:s4], [sflag:$0x2] =	stream.linear.gather [hbm4b:s19+s4], $0x50, $0x38;
	[tilespmem:$0x164A0] =	vst v63  }
0x27: {  	p0 =	sne.s32 s18, $0x4D8;
	_ =	swait.ge [sflag:s12], $0x50  }
0x28: {  	[sflag:s12] =	ssyncset.done $0x0  }
0x29: {  	s18 =	sadd.s32 s17, s9;
	s17 =	smov.u32 s20;
	[sflag:s12] =	ssyncadd.s32 $0xFFFFFFB0  }
0x2a: {  	[tilespmem:s13], [sflag:$0x2] =	stream.linear.gather [hbm4b:s18+s4], $0x50, $0x38;
	[tilespmem:$0x164A0] =	vst v63  }
0x2b: {  	_ =	swait.ge [sflag:s12], $0x50  }
0x2c: {  	[sflag:s12] =	ssyncset.done $0x0  }
0x2d: {  	[sflag:s12] =	ssyncadd.s32 $0xFFFFFFB0  }
0x2e: {  	[tilespmem:s14], [sflag:$0x1] =	stream.indirect.gather [hbm4b:s5+s13], $0x80, s4, s13, $0xb8;
	[tilespmem:$0x164A0] =	vst v63  }
0x2f: {  	_ =	swait.ge [sflag:s15], $0x2800  }
.Ltmp0:
0x30: {  	[sflag:s15] =	ssyncset.done $0x0;
	(pc) =	sbr.rel @p0 .LBB2_2-.Ltmp0, $4  }
0x31: {  	[sflag:s15] =	ssyncadd.s32 $0xFFFFD800  }
0x32: {  	[spmem:s3] =	stream.indirect.scatter.add.f32 [tilespmem:s14], [sflag:$0x2], $0x80, s13, s13, $0xb8;
	[tilespmem:$0x164A0] =	vst v63  }
0x33: {  	_ =	swait.ge [sflag:s12], $0x2800  }
0x34: {  	s18 =	smov.u32 s21;
	[sflag:s12] =	ssyncset.done $0x0  }
0x35: {  	s18 =	sadd.s32 s17, s10;
	[sflag:s12] =	ssyncadd.s32 $0xFFFFD800  }
0x36: {  	[tilespmem:s4], [sflag:$0x2] =	stream.linear.gather [hbm4b:s18+s4], $0x50, $0x38;
	[tilespmem:$0x164A0] =	vst v63  }
0x37: {  	_ =	swait.ge [sflag:s12], $0x50  }
0x38: {  	[sflag:s12] =	ssyncset.done $0x0  }
0x39: {  	s31 =	sadd.s32 s17, s9;
	[sflag:s12] =	ssyncadd.s32 $0xFFFFFFB0  }
0x3a: {  	[tilespmem:s13], [sflag:$0x2] =	stream.linear.gather [hbm4b:s31+s4], $0x50, $0x38;
	[tilespmem:$0x164A0] =	vst v63  }
0x3b: {  	_ =	swait.ge [sflag:s12], $0x50  }
0x3c: {  	[sflag:s12] =	ssyncset.done $0x0  }
0x3d: {  	[sflag:s12] =	ssyncadd.s32 $0xFFFFFFB0  }
0x3e: {  	[tilespmem:s14], [sflag:$0x1] =	stream.indirect.gather [hbm4b:s5+s13], $0x80, s4, s13, $0xb8;
	[tilespmem:$0x164A0] =	vst v63  }
0x3f: {  	_ =	swait.ge [sflag:s15], $0x2800  }
0x40: {  	[sflag:s15] =	ssyncset.done $0x0  }
0x41: {  	[sflag:s15] =	ssyncadd.s32 $0xFFFFD800  }
0x42: {  	[spmem:s3] =	stream.indirect.scatter.add.f32 [tilespmem:s14], [sflag:$0x2], $0x80, s13, s13, $0xb8;
	[tilespmem:$0x164A0] =	vst v63  }
0x43: {  	_ =	swait.ge [sflag:s12], $0x2800  }
0x44: {  	s16 =	sadd.s32 $0x1, s16;
	[sflag:s12] =	ssyncset.done $0x0  }
0x45: {  	p0 =	sne.s32 s16, s8;
	[sflag:s12] =	ssyncadd.s32 $0xFFFFD800  }
.Ltmp1:
0x46: {  	[bflag:$0x0] =	sbarrier.arrive $0xFFFF;
	(pc) =	sbr.rel @p0 .LBB2_1-.Ltmp1, $4  }
0x47: {  	[hbm:s7], [sflag:s6] =	dma.local [spmem:s11], $0x2780  }
0x48: {  	_ =	swait.ge [sflag:s12], $0x2780  }
0x49: {  	[sflag:s12] =	ssyncset.done $0x0  }
0x4a: {  	[sflag:s12] =	ssyncadd.s32 $0xFFFFD880  }
0x4b: {  	_ =	sfence.sel $0x180000  }
0x4c: {  	[bflag:$0x0] =	sbarrier.arrive $0xFFFF  }
0x4d: {  	p0 =	sne.s32 s0, $0x0;
	_ =	strace $0x9000004A  }
0x4e: {  	s0 =	sadd.s32 @!p0 $0x100000, s1;
	[bflag:$0x2] =	sbarrier.arrive $0xFFFF  }
0x4f: {  	[sflag:s0] =	ssyncadd.tile.s32 @!p0 $0x1;
	_ =	shalt  }
.Lfunc_end2:
_tile_overlayer_lowered:
.L_overlay_start_2:
0x50: {  	(tag) =	ssettag $0x2  }
0x51: {  	s0 =	rddreg [dreg:$0x0];
	s2 =	stileid.u32  }
0x52: {  	s1 =	rddreg [dreg:$0x1];
	p0 =	sne.s32 s2, $0x0  }
0x53: {  	s3 =	rddreg [dreg:$0x2];
	[bflag:$0x3] =	sbarrier.arrive $0xFFFF;
	s2 =	simm.s32 @!p0 $0x1C02  }
0x54: {  	[timem:s3], [sflag:s2] =	dma.local @!p0 [hbm:s0], s1  }
0x55: {  	s0 =	simm.s32 @!p0 $0x2  }
0x56: {  	_ =	swait.ge @!p0 [sflag:s0], s1  }
0x57: {  	s1 =	ssub.s32 @!p0 $0x0, s1;
	[sflag:s0] =	ssyncset.done @!p0 $0x0  }
0x58: {  	[sflag:s0] =	ssyncadd.s32 @!p0 s1  }
0x59: {  	[bflag:$0x3] =	sbarrier.arrive $0xFFFF  }
0x5a: {  	_ =	shalt  }

// kernel: kernel.15.cloned.1.call-start
scs
__scs_entry_jumppad:
0x0: {  	(pc) =	sbr.rel $0x88, $3  }
0x1: {  	(tag) =	ssettag $0x0;
	lr =	simm.s32 $0x1  }
0x2: {  	[smem:$0x3F9B] =	sst lr;
	_ =	strace $0xD0000000  }
0x3: {  	_ = 	snop  }
0x4: {  	_ = 	snop  }
0x5: {  	_ = 	snop  }
0x6: {  	_ = 	snop  }
0x7: {  	_ = 	snop  }
__scs_overlays_trampoline_lowered:
0x8: {  	[smem:$0x3FAA] =	sst s0  }
0x9: {  	[smem:$0x3FAB] =	sst s1  }
0xa: {  	[smem:$0x3FAC] =	sst s2  }
0xb: {  	[smem:$0x3FAD] =	sst s3  }
0xc: {  	[smem:$0x3FAE] =	sst s4  }
0xd: {  	[smem:$0x3FAF] =	sst s5  }
0xe: {  	[smem:$0x3FB0] =	sst s6  }
0xf: {  	[smem:$0x3FB1] =	sst s7  }
0x10: {  	[smem:$0x3FB2] =	sst s8  }
0x11: {  	[smem:$0x3FB3] =	sst s9;
	s0 =	simm.s32 @!p0 $0x0  }
0x12: {  	s1 =	sld [smem:$0x3F99];
	s0 =	simm.s32 @p0 $0x1  }
0x13: {  	[smem:$0x3FB4] =	sst s0;
	s0 =	simm.s32 @!p1 $0x0  }
0x14: {  	s2 =	sld [smem:$0x3F98];
	s0 =	simm.s32 @p1 $0x1  }
0x15: {  	[smem:$0x3FB5] =	sst s0;
	s0 =	simm.s32 @!p2 $0x0  }
0x16: {  	s3 =	sld [smem:$0x3FDB];
	s0 =	simm.s32 @p2 $0x1  }
0x17: {  	s4 =	simm.s32 $0x1BF5;
	[smem:$0x3FB7] =	sst s0  }
0x18: {  	s0 =	sld [smem:$0x3F9A];
	_ =	swait.ge [sflag:s4], $0x0  }
0x19: {  	s7 =	sld [smem:$0x3F9B]  }
0x1a: {  	s8 =	sadd.s32 $0xFFFFE003, lr  }
0x1b: {  	s9 =	sadd.s32 $0xFFFFFEF7, lr;
	s5 =	simm.s32 $0xFFFFFFFF;
	p2 =	slt.u32 s8, $0xFFFFF086  }
0x1c: {  	p1 =	slt.u32 s9, $0xF7A;
	s5 =	simm.s32 @!p2 $0x0  }
0x1d: {  	s5 =	simm.s32 @p1 $0x1;
	p0 =	seq.s32 s7, s2  }
0x1e: {  	s7 =	smul.u32 @!p0 $0xF7A, s2;
	p2 =	seq.s32 @!p0 s5, $0x0  }
0x1f: {  	s9 =	smul.u32 $0xF7A, s1;
	s8 =	simm.s32 @!p0 $0x1BF5;
	p2 =	por !p2, p0  }
0x20: {  	[sflag:s8] =	ssyncset.s32 @!p0 $0xFFFFF086;
	s6 =	sadd.s32 @!p0 s3, s7;
	s7 =	simm.s32 @!p0 $0x108  }
0x21: {  	s3 =	sadd.s32 s3, s9;
	s6 =	sadd.s32 @!p0 $0x88, s6;
	s7 =	simm.s32 @p2 $0x1082  }
0x22: {  	[simem:s7], [sflag:s8] =	dma.local @!p0 [hbm:s6], $0xF7A  }
0x23: {  	s9 =	sor.u32 $0xD0000000, s2;
	s6 =	simm.s32 $0x108;
	_ =	swait.ge @!p0 [sflag:s8], $0x0  }
0x24: {  	s3 =	sadd.s32 $0x88, s3;
	s6 =	simm.s32 @!p1 $0x1082;
	[sflag:s4] =	ssyncset.s32 $0xFFFFF086  }
0x25: {  	[simem:s6], [sflag:s4] =	dma.local [hbm:s3], $0xF7A  }
0x26: {  	[smem:$0x3F9B] =	sst s1;
	(tag) =	ssettag s2;
	_ =	strace s9  }
0x27: {  	s1 =	sld [smem:$0x3FAB]  }
0x28: {  	s2 =	sld [smem:$0x3FAC]  }
0x29: {  	s4 =	sld [smem:$0x3FAE]  }
0x2a: {  	p0 =	seq.s32 s5, $0x0;
	s5 =	sld [smem:$0x3FAF]  }
0x2b: {  	s6 =	sld [smem:$0x3FB0]  }
0x2c: {  	s7 =	sld [smem:$0x3FB1]  }
0x2d: {  	s3 =	simm.s32 $0x108;
	s8 =	sld [smem:$0x3FB2]  }
0x2e: {  	s3 =	simm.s32 @!p0 $0x1082;
	s9 =	sld [smem:$0x3FB3]  }
0x2f: {  	lr =	sadd.s32 s0, s3;
	s0 =	sld [smem:$0x3FAA]  }
0x30: {  	s3 =	sld [smem:$0x3FAD]  }
0x31: {  	[smem:$0x3FB6] =	sst s10  }
0x32: {  	s10 =	sld [smem:$0x3FB4];
	_ =	sdelay $0x3  }
0x33: {  	p0 =	seq.s32 s10, $0x1;
	s10 =	sld [smem:$0x3FB6];
	_ =	sdelay $0x3  }
0x34: {  	[smem:$0x3FB6] =	sst s10  }
0x35: {  	s10 =	sld [smem:$0x3FB5];
	_ =	sdelay $0x3  }
0x36: {  	p1 =	seq.s32 s10, $0x1;
	s10 =	sld [smem:$0x3FB6];
	_ =	sdelay $0x3  }
0x37: {  	[smem:$0x3FB6] =	sst s10  }
0x38: {  	s10 =	sld [smem:$0x3FB7]  }
0x39: {  	_ = 	snop;
	(pc) =	sbr.ind lr, $3  }
0x3a: {  	_ = 	snop  }
0x3b: {  	_ = 	snop  }
0x3c: {  	p2 =	seq.s32 s10, $0x1;
	s10 =	sld [smem:$0x3FB6]  }
0x3d: {  	_ =	shalt  }
0x3e: {  	_ =	shalt  }
0x3f: {  	_ =	shalt  }
0x40: {  	_ =	shalt  }
0x41: {  	_ =	shalt  }
0x42: {  	_ =	shalt  }
0x43: {  	_ =	shalt  }
0x44: {  	_ =	shalt  }
0x45: {  	_ =	shalt  }
0x46: {  	_ =	shalt  }
0x47: {  	_ =	shalt  }
0x48: {  	_ =	shalt  }
0x49: {  	_ =	shalt  }
0x4a: {  	_ =	shalt  }
0x4b: {  	_ =	shalt  }
0x4c: {  	_ =	shalt  }
0x4d: {  	_ =	shalt  }
0x4e: {  	_ =	shalt  }
0x4f: {  	_ =	shalt  }
0x50: {  	_ =	shalt  }
0x51: {  	_ =	shalt  }
0x52: {  	_ =	shalt  }
0x53: {  	_ =	shalt  }
0x54: {  	_ =	shalt  }
0x55: {  	_ =	shalt  }
0x56: {  	_ =	shalt  }
0x57: {  	_ =	shalt  }
0x58: {  	_ =	shalt  }
0x59: {  	_ =	shalt  }
0x5a: {  	_ =	shalt  }
0x5b: {  	_ =	shalt  }
0x5c: {  	_ =	shalt  }
0x5d: {  	_ =	shalt  }
0x5e: {  	_ =	shalt  }
0x5f: {  	_ =	shalt  }
0x60: {  	_ =	shalt  }
0x61: {  	_ =	shalt  }
0x62: {  	_ =	shalt  }
0x63: {  	_ =	shalt  }
0x64: {  	_ =	shalt  }
0x65: {  	_ =	shalt  }
0x66: {  	_ =	shalt  }
0x67: {  	_ =	shalt  }
0x68: {  	_ =	shalt  }
0x69: {  	_ =	shalt  }
0x6a: {  	_ =	shalt  }
0x6b: {  	_ =	shalt  }
0x6c: {  	_ =	shalt  }
0x6d: {  	_ =	shalt  }
0x6e: {  	_ =	shalt  }
0x6f: {  	_ =	shalt  }
0x70: {  	_ =	shalt  }
0x71: {  	_ =	shalt  }
0x72: {  	_ =	shalt  }
0x73: {  	_ =	shalt  }
0x74: {  	_ =	shalt  }
0x75: {  	_ =	shalt  }
0x76: {  	_ =	shalt  }
0x77: {  	_ =	shalt  }
0x78: {  	_ =	shalt  }
0x79: {  	_ =	shalt  }
0x7a: {  	_ =	shalt  }
0x7b: {  	_ =	shalt  }
0x7c: {  	_ =	shalt  }
0x7d: {  	_ =	shalt  }
0x7e: {  	_ =	shalt  }
0x7f: {  	_ =	shalt  }
0x80: {  	_ =	shalt  }
0x81: {  	_ =	shalt  }
0x82: {  	_ =	shalt  }
0x83: {  	_ =	shalt  }
0x84: {  	_ =	shalt  }
0x85: {  	_ =	shalt  }
0x86: {  	_ =	shalt  }
0x87: {  	_ =	shalt  }
.Lfunc_end0:
.L_simem_size_0:
called_computation.2_lowered:
.L_overlay_start_0:
0x88: {  	s2 =	sld [smem:$0x3FD9]  }
0x89: {  	s3 =	sld [smem:$0x3FFE];
	_ =	sdelay $0x1  }
0x8a: {  	s1 =	srdreg.scid  }
0x8b: {  	s0 =	sand.u32 $0x1, s1  }
0x8c: {  	s17 =	sshll.u32 s0, $0xA;
	s2 =	sadd.s32 s3, s2  }
0x8d: {  	s2 =	sadd.s32 s2, s17  }
0x8e: {  	[smem:$0x3FC2] =	sst s2  }
0x8f: {  	_ = 	snop  }
0x90: {  	s2 =	sld [smem:$0x3FD0];
	(tm) =	ssettm $0x1  }
0x91: {  	s18 =	sld [smem:$0x3FFB];
	_ =	sdelay $0x3  }
0x92: {  	_ =	strace s18  }
0x93: {  	s3 =	sld [smem:$0x3FFC];
	_ =	sdelay $0x3  }
0x94: {  	_ =	strace s3  }
0x95: {  	s3 =	sld [smem:$0x3FFD];
	_ =	sdelay $0x3  }
0x96: {  	_ =	strace s3  }
0x97: {  	_ =	strace $0x8FFFFFFF  }
0x98: {  	s19 =	sld [smem:$0x3FDB];
	_ =	sdelay $0x1  }
0x99: {  	s4 =	simm.s32 $_scs_section_size  }
0x9a: {  	s5 =	simm.s32 $_size__tile_overlayer_lowered;
	s6 =	simm.s32 $_tile_overlayer_lowered  }
0x9b: {  	s22 =	simm.s32 $0x1BFF;
	s21 =	sshll.u32 s6, $0x1;
	s3 =	sadd.s32 s4, s19  }
0x9c: {  	s7 =	simm.s32 $0x0;
	s20 =	sshll.u32 s5, $0x1;
	s5 =	sadd.s32 s21, s3  }
0x9d: {  	[timem:s7], [sflag:s22] =	dma.local [hbm:s5], s20  }
0x9e: {  	_ =	swait.ge [sflag:s22], s20  }
0x9f: {  	s4 =	ssub.s32 $0x0, s20;
	[sflag:s22] =	ssyncset.done $0x0  }
0xa0: {  	[sflag:s22] =	ssyncadd.s32 s4;
	_ =	sdelay $0x1  }
0xa1: {  	s23 =	simm.s32 $0x1B8B  }
0xa2: {  	_ =	swait.ge [sflag:s23], $0x1  }
0xa3: {  	[sflag:s23] =	ssyncset.done $0x0  }
0xa4: {  	s25 =	simm.s32 $0x1B8E;
	s24 =	sld [smem:$0x3FFE];
	[sflag:s23] =	ssyncadd.s32 $0xFFFFFFFF  }
0xa5: {  	s26 =	simm.s32 $execute0_lowered;
	[smem:$0x3FD2] =	sst s25  }
0xa6: {  	s5 =	sshll.u32 s26, $0x1;
	_ =	strace $0x8000004C;
	[dreg:$0x1] =	wrdreg $0xFFFFFFFF  }
0xa7: {  	s28 =	simm.s32 $_size_execute0_lowered;
	s3 =	sadd.s32 s3, s5;
	[dreg:$0x0] =	wrdreg $0x0  }
0xa8: {  	s5 =	sshll.u32 s28, $0x1;
	[dreg:$0x2] =	wrdreg s3  }
0xa9: {  	[dreg:$0x3] =	wrdreg s5  }
0xaa: {  	[dreg:$0x4] =	wrdreg $0xC0  }
0xab: {  	_ =	task [dreg:s7], $0x5FFFF  }
0xac: {  	[dreg:$0x1] =	wrdreg $0xFFFFFFFF  }
0xad: {  	[dreg:$0x0] =	wrdreg $0x60  }
0xae: {  	[dreg:$0x2] =	wrdreg s2  }
0xaf: {  	[dreg:$0x3] =	wrdreg s24  }
0xb0: {  	[dreg:$0x4] =	wrdreg $0xAA00  }
0xb1: {  	[dreg:$0x5] =	wrdreg $0x9  }
0xb2: {  	_ =	task.clear_ibuf [dreg:s7], $0x6FFFF;
	_ =	strace $0x9000004C  }
0xb3: {  	s29 =	simm.s32 $0x9;
	_ =	strace $0x8000004E  }
0xb4: {  	_ =	swait.ge [sflag:s29], $0x1  }
0xb5: {  	[sflag:s29] =	ssyncadd.s32 $0xFFFFFFFF  }
0xb6: {  	_ =	strace $0x9000004E  }
0xb7: {  	_ =	sfence  }
0xb8: {  	s30 =	sld [smem:$0x0];
	_ =	sdelay $0x2  }
0xb9: {  	s31 =	sshll.u32 s1, $0xD;
	s1 =	sshrl.u32 s1, $0x2  }
0xba: {  	s3 =	sand.u32 $0x4000, s31;
	s1 =	sadd.s32 s1, s30  }
0xbb: {  	s0 =	sor.u32 s3, s0;
	s1 =	sshll.u32 s1, $0x11  }
0xbc: {  	s0 =	sor.u32 s1, s0  }
0xbd: {  	s0 =	sadd.s32 $0x8F2B, s0  }
0xbe: {  	[sflag:s0] =	ssyncadd.remote.s32 $0x1  }
0xbf: {  	_ =	sfence.sel $0xFFFF  }
0xc0: {  	[dreg:$0x0] =	wrdreg $0xFFFFFFFF;
	(pc) =	sbr.abs _section_cstart, $3  }
0xc1: {  	[dreg:$0x1] =	wrdreg $0xFFFFFFFF  }
0xc2: {  	_ =	task.clear_ibuf [dreg:s7], $0x2FFFF;
	_ =	strace $0x9FFFFFFF  }
0xc3: {  	(tm) =	ssettm $0x7FFFFFFF  }
tec
execute0_lowered:
.L_overlay_start_1:
0x0: {  	(tag) =	ssettag $0x1  }
0x1: {  	s1 =	rddreg [dreg:$0x0]  }
0x2: {  	s6 =	rddreg [dreg:$0x1]  }
0x3: {  	s3 =	rddreg [dreg:$0x2]  }
0x4: {  	s0 =	srdreg.scid;
	s2 =	rddreg [dreg:$0x3]  }
0x5: {  	s4 =	simm.s32 $0x0;
	s12 =	simm.s32 $0x2;
	s5 =	sand.u32 $0x1, s0  }
0x6: {  	s13 =	simm.s32 $0x50;
	s0 =	stileid.u32;
	s7 =	smul.u32 $0x27100, s5  }
0x7: {  	s14 =	simm.s32 $0xA0;
	s15 =	simm.s32 $0x1;
	s8 =	smul.u32 $0x2710, s0  }
0x8: {  	s16 =	simm.s32 $0x0;
	[smem:$0x7FF] =	sst s4;
	s24 =	smul.u32 $0x9E0, s0  }
0x9: {  	s9 =	smul.u32 $0x9E00, s5;
	_ =	strace $0x8000004D;
	s26 =	ssub.s32 $0x2, s5  }
0xa: {  	s28 =	smul.u32 $0x13C00, s0;
	s5 =	sadd.s32 $0x15C00, s6;
	s31 =	sshll.u32 s0, $0x6  }
0xb: {  	s29 =	sshrl.u32 s26, $0x1;
	s7 =	sadd.s32 s8, s7;
	s25 =	sadd.s32 s24, s9  }
0xc: {  	s8 =	ssub.s32 s26, s29;
	s30 =	sshrl.u32 s28, $0x2;
	s7 =	sshrl.u32 s7, $0x3  }
0xd: {  	s11 =	sadd.s32 s30, s3;
	s8 =	smax.u32 s8, $0x1;
	s10 =	sadd.s32 s7, s6  }
0xe: {  	s7 =	sadd.s32 s25, s6;
	s6 =	sor.u32 $0x1C02, s31;
	s11 =	sshrl.u32 s11, $0x3  }
0xf: {  	s7 =	sadd.s32 $0x16600, s7;
	s9 =	sadd.s32 $0xBE00, s10;
	s10 =	sadd.s32 $0x2000, s10  }
.LBB2_1:
0x10: {  	[spmem:s11], [sflag:s6] =	dma.local [hbm:s5], $0x9E0  }
0x11: {  	_ =	swait.ge [sflag:s12], $0x9E0  }
0x12: {  	[sflag:s12] =	ssyncset.done $0x0  }
0x13: {  	[sflag:s12] =	ssyncadd.s32 $0xFFFFF620  }
0x14: {  	s17 =	sadd.s32 $0x0, s10;
	[bflag:$0x0] =	sbarrier.arrive $0xFFFF  }
0x15: {  	[tilespmem:s4], [sflag:$0x2] =	stream.linear.gather [hbm4b:s17+s4], $0x50, $0x38;
	[tilespmem:$0x59A0] =	vst v63  }
0x16: {  	_ =	swait.ge [sflag:s12], $0x50  }
0x17: {  	[sflag:s12] =	ssyncset.done $0x0  }
0x18: {  	s31 =	sadd.s32 $0x0, s9;
	[sflag:s12] =	ssyncadd.s32 $0xFFFFFFB0  }
0x19: {  	[tilespmem:s13], [sflag:$0x2] =	stream.linear.gather [hbm4b:s31+s4], $0x50, $0x38;
	[tilespmem:$0x59A0] =	vst v63  }
0x1a: {  	_ =	swait.ge [sflag:s12], $0x50  }
0x1b: {  	[sflag:s12] =	ssyncset.done $0x0  }
0x1c: {  	[sflag:s12] =	ssyncadd.s32 $0xFFFFFFB0  }
0x1d: {  	[tilespmem:s14], [sflag:$0x1] =	stream.indirect.gather [hbm4b:s1+s13], $0x20, s4, s13, $0xb8;
	[tilespmem:$0x59A0] =	vst v63  }
0x1e: {  	_ =	swait.ge [sflag:s15], $0xA00  }
0x1f: {  	[sflag:s15] =	ssyncset.done $0x0  }
0x20: {  	[sflag:s15] =	ssyncadd.s32 $0xFFFFF600  }
0x21: {  	[spmem:s3] =	stream.indirect.scatter.add.f32 [tilespmem:s14], [sflag:$0x2], $0x20, s13, s13, $0xb8;
	[tilespmem:$0x59A0] =	vst v63  }
0x22: {  	_ =	swait.ge [sflag:s12], $0xA00  }
0x23: {  	s18 =	simm.s32 $0x14;
	s17 =	simm.s32 $0xA;
	[sflag:s12] =	ssyncset.done $0x0  }
.LBB2_2:
0x24: {  	s19 =	sadd.s32 s17, s10  }
0x25: {  	[sflag:s12] =	ssyncadd.s32 $0xFFFFF600;
	s20 =	smov.u32 s18;
	s21 =	sadd.s32 $0xA, s18  }
0x26: {  	[tilespmem:s4], [sflag:$0x2] =	stream.linear.gather [hbm4b:s19+s4], $0x50, $0x38;
	[tilespmem:$0x59A0] =	vst v63  }
0x27: {  	p0 =	sne.s32 s18, $0x4D8;
	_ =	swait.ge [sflag:s12], $0x50  }
0x28: {  	[sflag:s12] =	ssyncset.done $0x0  }
0x29: {  	s18 =	sadd.s32 s17, s9;
	s17 =	smov.u32 s20;
	[sflag:s12] =	ssyncadd.s32 $0xFFFFFFB0  }
0x2a: {  	[tilespmem:s13], [sflag:$0x2] =	stream.linear.gather [hbm4b:s18+s4], $0x50, $0x38;
	[tilespmem:$0x59A0] =	vst v63  }
0x2b: {  	_ =	swait.ge [sflag:s12], $0x50  }
0x2c: {  	[sflag:s12] =	ssyncset.done $0x0  }
0x2d: {  	[sflag:s12] =	ssyncadd.s32 $0xFFFFFFB0  }
0x2e: {  	[tilespmem:s14], [sflag:$0x1] =	stream.indirect.gather [hbm4b:s1+s13], $0x20, s4, s13, $0xb8;
	[tilespmem:$0x59A0] =	vst v63  }
0x2f: {  	_ =	swait.ge [sflag:s15], $0xA00  }
.Ltmp0:
0x30: {  	[sflag:s15] =	ssyncset.done $0x0;
	(pc) =	sbr.rel @p0 .LBB2_2-.Ltmp0, $4  }
0x31: {  	[sflag:s15] =	ssyncadd.s32 $0xFFFFF600  }
0x32: {  	[spmem:s3] =	stream.indirect.scatter.add.f32 [tilespmem:s14], [sflag:$0x2], $0x20, s13, s13, $0xb8;
	[tilespmem:$0x59A0] =	vst v63  }
0x33: {  	_ =	swait.ge [sflag:s12], $0xA00  }
0x34: {  	s18 =	smov.u32 s21;
	[sflag:s12] =	ssyncset.done $0x0  }
0x35: {  	s18 =	sadd.s32 s17, s10;
	[sflag:s12] =	ssyncadd.s32 $0xFFFFF600  }
0x36: {  	[tilespmem:s4], [sflag:$0x2] =	stream.linear.gather [hbm4b:s18+s4], $0x50, $0x38;
	[tilespmem:$0x59A0] =	vst v63  }
0x37: {  	_ =	swait.ge [sflag:s12], $0x50  }
0x38: {  	[sflag:s12] =	ssyncset.done $0x0  }
0x39: {  	s31 =	sadd.s32 s17, s9;
	[sflag:s12] =	ssyncadd.s32 $0xFFFFFFB0  }
0x3a: {  	[tilespmem:s13], [sflag:$0x2] =	stream.linear.gather [hbm4b:s31+s4], $0x50, $0x38;
	[tilespmem:$0x59A0] =	vst v63  }
0x3b: {  	_ =	swait.ge [sflag:s12], $0x50  }
0x3c: {  	[sflag:s12] =	ssyncset.done $0x0  }
0x3d: {  	[sflag:s12] =	ssyncadd.s32 $0xFFFFFFB0  }
0x3e: {  	[tilespmem:s14], [sflag:$0x1] =	stream.indirect.gather [hbm4b:s1+s13], $0x20, s4, s13, $0xb8;
	[tilespmem:$0x59A0] =	vst v63  }
0x3f: {  	_ =	swait.ge [sflag:s15], $0xA00  }
0x40: {  	[sflag:s15] =	ssyncset.done $0x0  }
0x41: {  	[sflag:s15] =	ssyncadd.s32 $0xFFFFF600  }
0x42: {  	[spmem:s3] =	stream.indirect.scatter.add.f32 [tilespmem:s14], [sflag:$0x2], $0x20, s13, s13, $0xb8;
	[tilespmem:$0x59A0] =	vst v63  }
0x43: {  	_ =	swait.ge [sflag:s12], $0xA00  }
0x44: {  	s16 =	sadd.s32 $0x1, s16;
	[sflag:s12] =	ssyncset.done $0x0  }
0x45: {  	p0 =	sne.s32 s16, s8;
	[sflag:s12] =	ssyncadd.s32 $0xFFFFF600  }
.Ltmp1:
0x46: {  	[bflag:$0x0] =	sbarrier.arrive $0xFFFF;
	(pc) =	sbr.rel @p0 .LBB2_1-.Ltmp1, $4  }
0x47: {  	[hbm:s7], [sflag:s6] =	dma.local [spmem:s11], $0x9E0  }
0x48: {  	_ =	swait.ge [sflag:s12], $0x9E0  }
0x49: {  	[sflag:s12] =	ssyncset.done $0x0  }
0x4a: {  	[sflag:s12] =	ssyncadd.s32 $0xFFFFF620  }
0x4b: {  	_ =	sfence.sel $0x180000  }
0x4c: {  	[bflag:$0x0] =	sbarrier.arrive $0xFFFF  }
0x4d: {  	p0 =	sne.s32 s0, $0x0;
	_ =	strace $0x9000004D  }
0x4e: {  	s0 =	sadd.s32 @!p0 $0x100000, s2;
	[bflag:$0x2] =	sbarrier.arrive $0xFFFF  }
0x4f: {  	[sflag:s0] =	ssyncadd.tile.s32 @!p0 $0x1;
	_ =	shalt  }
.Lfunc_end2:
_tile_overlayer_lowered:
.L_overlay_start_2:
0x50: {  	(tag) =	ssettag $0x2  }
0x51: {  	s0 =	rddreg [dreg:$0x0];
	s2 =	stileid.u32  }
0x52: {  	s1 =	rddreg [dreg:$0x1];
	p0 =	sne.s32 s2, $0x0  }
0x53: {  	s3 =	rddreg [dreg:$0x2];
	[bflag:$0x3] =	sbarrier.arrive $0xFFFF;
	s2 =	simm.s32 @!p0 $0x1C02  }
0x54: {  	[timem:s3], [sflag:s2] =	dma.local @!p0 [hbm:s0], s1  }
0x55: {  	s0 =	simm.s32 @!p0 $0x2  }
0x56: {  	_ =	swait.ge @!p0 [sflag:s0], s1  }
0x57: {  	s1 =	ssub.s32 @!p0 $0x0, s1;
	[sflag:s0] =	ssyncset.done @!p0 $0x0  }
0x58: {  	[sflag:s0] =	ssyncadd.s32 @!p0 s1  }
0x59: {  	[bflag:$0x3] =	sbarrier.arrive $0xFFFF  }
0x5a: {  	_ =	shalt  }

// kernel: kernel.9.cloned.1.call-start
scs
__scs_entry_jumppad:
0x0: {  	(pc) =	sbr.rel $0x88, $3  }
0x1: {  	(tag) =	ssettag $0x0;
	lr =	simm.s32 $0x1  }
0x2: {  	[smem:$0x3F9B] =	sst lr;
	_ =	strace $0xD0000000  }
0x3: {  	_ = 	snop  }
0x4: {  	_ = 	snop  }
0x5: {  	_ = 	snop  }
0x6: {  	_ = 	snop  }
0x7: {  	_ = 	snop  }
__scs_overlays_trampoline_lowered:
0x8: {  	[smem:$0x3FAA] =	sst s0  }
0x9: {  	[smem:$0x3FAB] =	sst s1  }
0xa: {  	[smem:$0x3FAC] =	sst s2  }
0xb: {  	[smem:$0x3FAD] =	sst s3  }
0xc: {  	[smem:$0x3FAE] =	sst s4  }
0xd: {  	[smem:$0x3FAF] =	sst s5  }
0xe: {  	[smem:$0x3FB0] =	sst s6  }
0xf: {  	[smem:$0x3FB1] =	sst s7  }
0x10: {  	[smem:$0x3FB2] =	sst s8  }
0x11: {  	[smem:$0x3FB3] =	sst s9;
	s0 =	simm.s32 @!p0 $0x0  }
0x12: {  	s1 =	sld [smem:$0x3F99];
	s0 =	simm.s32 @p0 $0x1  }
0x13: {  	[smem:$0x3FB4] =	sst s0;
	s0 =	simm.s32 @!p1 $0x0  }
0x14: {  	s2 =	sld [smem:$0x3F98];
	s0 =	simm.s32 @p1 $0x1  }
0x15: {  	[smem:$0x3FB5] =	sst s0;
	s0 =	simm.s32 @!p2 $0x0  }
0x16: {  	s3 =	sld [smem:$0x3FDB];
	s0 =	simm.s32 @p2 $0x1  }
0x17: {  	s4 =	simm.s32 $0x1BF5;
	[smem:$0x3FB7] =	sst s0  }
0x18: {  	s0 =	sld [smem:$0x3F9A];
	_ =	swait.ge [sflag:s4], $0x0  }
0x19: {  	s7 =	sld [smem:$0x3F9B]  }
0x1a: {  	s8 =	sadd.s32 $0xFFFFE003, lr  }
0x1b: {  	s9 =	sadd.s32 $0xFFFFFEF7, lr;
	s5 =	simm.s32 $0xFFFFFFFF;
	p2 =	slt.u32 s8, $0xFFFFF086  }
0x1c: {  	p1 =	slt.u32 s9, $0xF7A;
	s5 =	simm.s32 @!p2 $0x0  }
0x1d: {  	s5 =	simm.s32 @p1 $0x1;
	p0 =	seq.s32 s7, s2  }
0x1e: {  	s7 =	smul.u32 @!p0 $0xF7A, s2;
	p2 =	seq.s32 @!p0 s5, $0x0  }
0x1f: {  	s9 =	smul.u32 $0xF7A, s1;
	s8 =	simm.s32 @!p0 $0x1BF5;
	p2 =	por !p2, p0  }
0x20: {  	[sflag:s8] =	ssyncset.s32 @!p0 $0xFFFFF086;
	s6 =	sadd.s32 @!p0 s3, s7;
	s7 =	simm.s32 @!p0 $0x108  }
0x21: {  	s3 =	sadd.s32 s3, s9;
	s6 =	sadd.s32 @!p0 $0x88, s6;
	s7 =	simm.s32 @p2 $0x1082  }
0x22: {  	[simem:s7], [sflag:s8] =	dma.local @!p0 [hbm:s6], $0xF7A  }
0x23: {  	s9 =	sor.u32 $0xD0000000, s2;
	s6 =	simm.s32 $0x108;
	_ =	swait.ge @!p0 [sflag:s8], $0x0  }
0x24: {  	s3 =	sadd.s32 $0x88, s3;
	s6 =	simm.s32 @!p1 $0x1082;
	[sflag:s4] =	ssyncset.s32 $0xFFFFF086  }
0x25: {  	[simem:s6], [sflag:s4] =	dma.local [hbm:s3], $0xF7A  }
0x26: {  	[smem:$0x3F9B] =	sst s1;
	(tag) =	ssettag s2;
	_ =	strace s9  }
0x27: {  	s1 =	sld [smem:$0x3FAB]  }
0x28: {  	s2 =	sld [smem:$0x3FAC]  }
0x29: {  	s4 =	sld [smem:$0x3FAE]  }
0x2a: {  	p0 =	seq.s32 s5, $0x0;
	s5 =	sld [smem:$0x3FAF]  }
0x2b: {  	s6 =	sld [smem:$0x3FB0]  }
0x2c: {  	s7 =	sld [smem:$0x3FB1]  }
0x2d: {  	s3 =	simm.s32 $0x108;
	s8 =	sld [smem:$0x3FB2]  }
0x2e: {  	s3 =	simm.s32 @!p0 $0x1082;
	s9 =	sld [smem:$0x3FB3]  }
0x2f: {  	lr =	sadd.s32 s0, s3;
	s0 =	sld [smem:$0x3FAA]  }
0x30: {  	s3 =	sld [smem:$0x3FAD]  }
0x31: {  	[smem:$0x3FB6] =	sst s10  }
0x32: {  	s10 =	sld [smem:$0x3FB4];
	_ =	sdelay $0x3  }
0x33: {  	p0 =	seq.s32 s10, $0x1;
	s10 =	sld [smem:$0x3FB6];
	_ =	sdelay $0x3  }
0x34: {  	[smem:$0x3FB6] =	sst s10  }
0x35: {  	s10 =	sld [smem:$0x3FB5];
	_ =	sdelay $0x3  }
0x36: {  	p1 =	seq.s32 s10, $0x1;
	s10 =	sld [smem:$0x3FB6];
	_ =	sdelay $0x3  }
0x37: {  	[smem:$0x3FB6] =	sst s10  }
0x38: {  	s10 =	sld [smem:$0x3FB7]  }
0x39: {  	_ = 	snop;
	(pc) =	sbr.ind lr, $3  }
0x3a: {  	_ = 	snop  }
0x3b: {  	_ = 	snop  }
0x3c: {  	p2 =	seq.s32 s10, $0x1;
	s10 =	sld [smem:$0x3FB6]  }
0x3d: {  	_ =	shalt  }
0x3e: {  	_ =	shalt  }
0x3f: {  	_ =	shalt  }
0x40: {  	_ =	shalt  }
0x41: {  	_ =	shalt  }
0x42: {  	_ =	shalt  }
0x43: {  	_ =	shalt  }
0x44: {  	_ =	shalt  }
0x45: {  	_ =	shalt  }
0x46: {  	_ =	shalt  }
0x47: {  	_ =	shalt  }
0x48: {  	_ =	shalt  }
0x49: {  	_ =	shalt  }
0x4a: {  	_ =	shalt  }
0x4b: {  	_ =	shalt  }
0x4c: {  	_ =	shalt  }
0x4d: {  	_ =	shalt  }
0x4e: {  	_ =	shalt  }
0x4f: {  	_ =	shalt  }
0x50: {  	_ =	shalt  }
0x51: {  	_ =	shalt  }
0x52: {  	_ =	shalt  }
0x53: {  	_ =	shalt  }
0x54: {  	_ =	shalt  }
0x55: {  	_ =	shalt  }
0x56: {  	_ =	shalt  }
0x57: {  	_ =	shalt  }
0x58: {  	_ =	shalt  }
0x59: {  	_ =	shalt  }
0x5a: {  	_ =	shalt  }
0x5b: {  	_ =	shalt  }
0x5c: {  	_ =	shalt  }
0x5d: {  	_ =	shalt  }
0x5e: {  	_ =	shalt  }
0x5f: {  	_ =	shalt  }
0x60: {  	_ =	shalt  }
0x61: {  	_ =	shalt  }
0x62: {  	_ =	shalt  }
0x63: {  	_ =	shalt  }
0x64: {  	_ =	shalt  }
0x65: {  	_ =	shalt  }
0x66: {  	_ =	shalt  }
0x67: {  	_ =	shalt  }
0x68: {  	_ =	shalt  }
0x69: {  	_ =	shalt  }
0x6a: {  	_ =	shalt  }
0x6b: {  	_ =	shalt  }
0x6c: {  	_ =	shalt  }
0x6d: {  	_ =	shalt  }
0x6e: {  	_ =	shalt  }
0x6f: {  	_ =	shalt  }
0x70: {  	_ =	shalt  }
0x71: {  	_ =	shalt  }
0x72: {  	_ =	shalt  }
0x73: {  	_ =	shalt  }
0x74: {  	_ =	shalt  }
0x75: {  	_ =	shalt  }
0x76: {  	_ =	shalt  }
0x77: {  	_ =	shalt  }
0x78: {  	_ =	shalt  }
0x79: {  	_ =	shalt  }
0x7a: {  	_ =	shalt  }
0x7b: {  	_ =	shalt  }
0x7c: {  	_ =	shalt  }
0x7d: {  	_ =	shalt  }
0x7e: {  	_ =	shalt  }
0x7f: {  	_ =	shalt  }
0x80: {  	_ =	shalt  }
0x81: {  	_ =	shalt  }
0x82: {  	_ =	shalt  }
0x83: {  	_ =	shalt  }
0x84: {  	_ =	shalt  }
0x85: {  	_ =	shalt  }
0x86: {  	_ =	shalt  }
0x87: {  	_ =	shalt  }
.Lfunc_end0:
.L_simem_size_0:
called_computation_lowered:
.L_overlay_start_0:
0x88: {  	s2 =	sld [smem:$0x3FD9]  }
0x89: {  	s3 =	sld [smem:$0x3FFE];
	_ =	sdelay $0x1  }
0x8a: {  	s1 =	srdreg.scid  }
0x8b: {  	s0 =	sand.u32 $0x1, s1  }
0x8c: {  	s17 =	sshll.u32 s0, $0xA;
	s2 =	sadd.s32 s3, s2  }
0x8d: {  	s2 =	sadd.s32 s2, s17  }
0x8e: {  	[smem:$0x3FC2] =	sst s2  }
0x8f: {  	_ = 	snop  }
0x90: {  	s2 =	sld [smem:$0x3FD0];
	(tm) =	ssettm $0x1  }
0x91: {  	s18 =	sld [smem:$0x3FFB];
	_ =	sdelay $0x3  }
0x92: {  	_ =	strace s18  }
0x93: {  	s3 =	sld [smem:$0x3FFC];
	_ =	sdelay $0x3  }
0x94: {  	_ =	strace s3  }
0x95: {  	s3 =	sld [smem:$0x3FFD];
	_ =	sdelay $0x3  }
0x96: {  	_ =	strace s3  }
0x97: {  	_ =	strace $0x8FFFFFFF  }
0x98: {  	s19 =	sld [smem:$0x3FDB];
	_ =	sdelay $0x1  }
0x99: {  	s4 =	simm.s32 $_scs_section_size  }
0x9a: {  	s5 =	simm.s32 $_size__tile_overlayer_lowered;
	s6 =	simm.s32 $_tile_overlayer_lowered  }
0x9b: {  	s22 =	simm.s32 $0x1BFF;
	s21 =	sshll.u32 s6, $0x1;
	s3 =	sadd.s32 s4, s19  }
0x9c: {  	s7 =	simm.s32 $0x0;
	s20 =	sshll.u32 s5, $0x1;
	s5 =	sadd.s32 s21, s3  }
0x9d: {  	[timem:s7], [sflag:s22] =	dma.local [hbm:s5], s20  }
0x9e: {  	_ =	swait.ge [sflag:s22], s20  }
0x9f: {  	s4 =	ssub.s32 $0x0, s20;
	[sflag:s22] =	ssyncset.done $0x0  }
0xa0: {  	[sflag:s22] =	ssyncadd.s32 s4;
	_ =	sdelay $0x1  }
0xa1: {  	s23 =	simm.s32 $0x1B8B  }
0xa2: {  	_ =	swait.ge [sflag:s23], $0x1  }
0xa3: {  	[sflag:s23] =	ssyncset.done $0x0  }
0xa4: {  	s25 =	simm.s32 $0x1B8E;
	s24 =	sld [smem:$0x3FFE];
	[sflag:s23] =	ssyncadd.s32 $0xFFFFFFFF  }
0xa5: {  	s26 =	simm.s32 $execute0_lowered;
	[smem:$0x3FD2] =	sst s25  }
0xa6: {  	s5 =	sshll.u32 s26, $0x1;
	_ =	strace $0x80000046;
	[dreg:$0x1] =	wrdreg $0xFFFFFFFF  }
0xa7: {  	s28 =	simm.s32 $_size_execute0_lowered;
	s3 =	sadd.s32 s3, s5;
	[dreg:$0x0] =	wrdreg $0x0  }
0xa8: {  	s5 =	sshll.u32 s28, $0x1;
	[dreg:$0x2] =	wrdreg s3  }
0xa9: {  	[dreg:$0x3] =	wrdreg s5  }
0xaa: {  	[dreg:$0x4] =	wrdreg $0xC0  }
0xab: {  	_ =	task [dreg:s7], $0x5FFFF  }
0xac: {  	[dreg:$0x1] =	wrdreg $0xFFFFFFFF  }
0xad: {  	[dreg:$0x0] =	wrdreg $0x60  }
0xae: {  	[dreg:$0x2] =	wrdreg s24  }
0xaf: {  	[dreg:$0x3] =	wrdreg s2  }
0xb0: {  	[dreg:$0x4] =	wrdreg $0x5500  }
0xb1: {  	[dreg:$0x5] =	wrdreg $0x9  }
0xb2: {  	_ =	task.clear_ibuf [dreg:s7], $0x6FFFF;
	_ =	strace $0x90000046  }
0xb3: {  	s29 =	simm.s32 $0x9;
	_ =	strace $0x80000048  }
0xb4: {  	_ =	swait.ge [sflag:s29], $0x1  }
0xb5: {  	[sflag:s29] =	ssyncadd.s32 $0xFFFFFFFF  }
0xb6: {  	_ =	strace $0x90000048  }
0xb7: {  	_ =	sfence  }
0xb8: {  	s30 =	sld [smem:$0x0];
	_ =	sdelay $0x2  }
0xb9: {  	s31 =	sshll.u32 s1, $0xD;
	s1 =	sshrl.u32 s1, $0x2  }
0xba: {  	s3 =	sand.u32 $0x4000, s31;
	s1 =	sadd.s32 s1, s30  }
0xbb: {  	s0 =	sor.u32 s3, s0;
	s1 =	sshll.u32 s1, $0x11  }
0xbc: {  	s0 =	sor.u32 s1, s0  }
0xbd: {  	s0 =	sadd.s32 $0x8F2B, s0  }
0xbe: {  	[sflag:s0] =	ssyncadd.remote.s32 $0x1  }
0xbf: {  	_ =	sfence.sel $0xFFFF  }
0xc0: {  	[dreg:$0x0] =	wrdreg $0xFFFFFFFF;
	(pc) =	sbr.abs _section_cstart, $3  }
0xc1: {  	[dreg:$0x1] =	wrdreg $0xFFFFFFFF  }
0xc2: {  	_ =	task.clear_ibuf [dreg:s7], $0x2FFFF;
	_ =	strace $0x9FFFFFFF  }
0xc3: {  	(tm) =	ssettm $0x7FFFFFFF  }
tec
execute0_lowered:
.L_overlay_start_1:
0x0: {  	(tag) =	ssettag $0x1  }
0x1: {  	s5 =	rddreg [dreg:$0x0]  }
0x2: {  	s7 =	rddreg [dreg:$0x1];
	s0 =	srdreg.scid  }
0x3: {  	s2 =	rddreg [dreg:$0x2];
	s1 =	stileid.u32  }
0x4: {  	s3 =	simm.s32 $0x0;
	s13 =	simm.s32 $0x0;
	s8 =	smul.u32 $0x2710, s1  }
0x5: {  	s4 =	sand.u32 $0x1, s0;
	s0 =	rddreg [dreg:$0x3];
	s26 =	smul.u32 $0x4F0, s1  }
0x6: {  	[smem:$0x7FF] =	sst s3;
	s10 =	smul.u32 $0x9E00, s1;
	s30 =	sshll.u32 s1, $0x6  }
0x7: {  	s6 =	smul.u32 $0x27100, s4;
	_ =	strace $0x80000047;
	s9 =	ssub.s32 $0x2, s4  }
0x8: {  	s12 =	smul.u32 $0x4F00, s4;
	s4 =	sadd.s32 $0x16200, s5;
	s28 =	sshrl.u32 s9, $0x1  }
0x9: {  	s29 =	sshrl.u32 s10, $0x2;
	s6 =	sadd.s32 s8, s6;
	s9 =	ssub.s32 s9, s28  }
0xa: {  	s8 =	sadd.s32 s26, s12;
	s31 =	sadd.s32 s29, s2;
	s12 =	simm.s32 $0x50  }
0xb: {  	s6 =	sshrl.u32 s6, $0x3;
	s7 =	sadd.s32 s7, s8;
	s8 =	smax.u32 s9, $0x1  }
0xc: {  	s10 =	sshrl.u32 s31, $0x3;
	s11 =	sadd.s32 s6, s5;
	s5 =	sadd.s32 $0x15C00, s5  }
0xd: {  	s6 =	sor.u32 $0x1C01, s30;
	s9 =	sadd.s32 $0xBE00, s11;
	s11 =	simm.s32 $0x1  }
.LBB2_1:
0xe: {  	[spmem:s10], [sflag:s6] =	dma.local [hbm:s5], $0x4F0  }
0xf: {  	_ =	swait.ge [sflag:s11], $0x4F0  }
0x10: {  	[sflag:s11] =	ssyncset.done $0x0  }
0x11: {  	[sflag:s11] =	ssyncadd.s32 $0xFFFFFB10  }
0x12: {  	[tilespmem:s12], [sflag:$0x1] =	stream.linear.gather [hbm4b:s4+s3], $0x500, $0x38;
	[tilespmem:$0x2CD0] =	vst v63  }
0x13: {  	_ =	swait.ge [sflag:s11], $0x500  }
0x14: {  	[sflag:s11] =	ssyncset.done $0x0  }
0x15: {  	[sflag:s11] =	ssyncadd.s32 $0xFFFFFB00  }
0x16: {  	s14 =	sadd.s32 $0x0, s9;
	[bflag:$0x0] =	sbarrier.arrive $0xFFFF  }
0x17: {  	[tilespmem:s3], [sflag:$0x1] =	stream.linear.gather [hbm4b:s14+s3], $0x50, $0x38;
	[tilespmem:$0x2CD0] =	vst v63  }
0x18: {  	_ =	swait.ge [sflag:s11], $0x50  }
0x19: {  	[sflag:s11] =	ssyncset.done $0x0  }
0x1a: {  	[sflag:s11] =	ssyncadd.s32 $0xFFFFFFB0  }
0x1b: {  	[spmem:s2] =	stream.indirect.scatter.add.f32 [tilespmem:s12], [sflag:$0x1], $0x10, s3, s12, $0xb8;
	[tilespmem:$0x2CD0] =	vst v63  }
0x1c: {  	_ =	swait.ge [sflag:s11], $0x500  }
0x1d: {  	s15 =	simm.s32 $0x14;
	s14 =	simm.s32 $0xA;
	[sflag:s11] =	ssyncset.done $0x0  }
.LBB2_2:
0x1e: {  	s16 =	sadd.s32 s14, s9  }
0x1f: {  	[sflag:s11] =	ssyncadd.s32 $0xFFFFFB00;
	s14 =	smov.u32 s15;
	s17 =	sadd.s32 $0xA, s15  }
0x20: {  	[tilespmem:s3], [sflag:$0x1] =	stream.linear.gather [hbm4b:s16+s3], $0x50, $0x38;
	[tilespmem:$0x2CD0] =	vst v63  }
0x21: {  	p0 =	sne.s32 s15, $0x4D8;
	_ =	swait.ge [sflag:s11], $0x50  }
.Ltmp0:
0x22: {  	[sflag:s11] =	ssyncset.done $0x0;
	(pc) =	sbr.rel @p0 .LBB2_2-.Ltmp0, $4  }
0x23: {  	[sflag:s11] =	ssyncadd.s32 $0xFFFFFFB0  }
0x24: {  	[spmem:s2] =	stream.indirect.scatter.add.f32 [tilespmem:s12], [sflag:$0x1], $0x10, s3, s12, $0xb8;
	[tilespmem:$0x2CD0] =	vst v63  }
0x25: {  	_ =	swait.ge [sflag:s11], $0x500  }
0x26: {  	s15 =	smov.u32 s17;
	[sflag:s11] =	ssyncset.done $0x0  }
0x27: {  	s14 =	sadd.s32 s14, s9;
	[sflag:s11] =	ssyncadd.s32 $0xFFFFFB00  }
0x28: {  	[tilespmem:s3], [sflag:$0x1] =	stream.linear.gather [hbm4b:s14+s3], $0x50, $0x38;
	[tilespmem:$0x2CD0] =	vst v63  }
0x29: {  	_ =	swait.ge [sflag:s11], $0x50  }
0x2a: {  	[sflag:s11] =	ssyncset.done $0x0  }
0x2b: {  	[sflag:s11] =	ssyncadd.s32 $0xFFFFFFB0  }
0x2c: {  	[spmem:s2] =	stream.indirect.scatter.add.f32 [tilespmem:s12], [sflag:$0x1], $0x10, s3, s12, $0xb8;
	[tilespmem:$0x2CD0] =	vst v63  }
0x2d: {  	_ =	swait.ge [sflag:s11], $0x500  }
0x2e: {  	s13 =	sadd.s32 $0x1, s13;
	[sflag:s11] =	ssyncset.done $0x0  }
0x2f: {  	p0 =	sne.s32 s13, s8;
	[sflag:s11] =	ssyncadd.s32 $0xFFFFFB00  }
.Ltmp1:
0x30: {  	[bflag:$0x0] =	sbarrier.arrive $0xFFFF;
	(pc) =	sbr.rel @p0 .LBB2_1-.Ltmp1, $4  }
0x31: {  	[hbm:s7], [sflag:s6] =	dma.local [spmem:s10], $0x4F0  }
0x32: {  	_ =	swait.ge [sflag:s11], $0x4F0  }
0x33: {  	[sflag:s11] =	ssyncset.done $0x0  }
0x34: {  	[sflag:s11] =	ssyncadd.s32 $0xFFFFFB10  }
0x35: {  	_ =	sfence.sel $0x180000  }
0x36: {  	[bflag:$0x0] =	sbarrier.arrive $0xFFFF  }
0x37: {  	p0 =	sne.s32 s1, $0x0;
	_ =	strace $0x90000047  }
0x38: {  	s0 =	sadd.s32 @!p0 $0x100000, s0;
	[bflag:$0x2] =	sbarrier.arrive $0xFFFF  }
0x39: {  	[sflag:s0] =	ssyncadd.tile.s32 @!p0 $0x1;
	_ =	shalt  }
.Lfunc_end2:
_tile_overlayer_lowered:
.L_overlay_start_2:
0x3a: {  	(tag) =	ssettag $0x2  }
0x3b: {  	s0 =	rddreg [dreg:$0x0];
	s2 =	stileid.u32  }
0x3c: {  	s1 =	rddreg [dreg:$0x1];
	p0 =	sne.s32 s2, $0x0  }
0x3d: {  	s3 =	rddreg [dreg:$0x2];
	[bflag:$0x3] =	sbarrier.arrive $0xFFFF;
	s2 =	simm.s32 @!p0 $0x1C01  }
0x3e: {  	[timem:s3], [sflag:s2] =	dma.local @!p0 [hbm:s0], s1  }
0x3f: {  	s0 =	simm.s32 @!p0 $0x1  }
0x40: {  	_ =	swait.ge @!p0 [sflag:s0], s1  }
0x41: {  	s1 =	ssub.s32 @!p0 $0x0, s1;
	[sflag:s0] =	ssyncset.done @!p0 $0x0  }
0x42: {  	[sflag:s0] =	ssyncadd.s32 @!p0 s1  }
0x43: {  	[bflag:$0x3] =	sbarrier.arrive $0xFFFF  }
0x44: {  	_ =	shalt  }

</sc_bundles>
